<compile_context>
chip_gen: v7x
topology: tpu7x:2x2x1
jax: 0.10.2.dev20260603
libtpu: 0.0.44.dev20260713+nightly
codegen_flags: <defaults>
</compile_context>

<pallas_src>
import functools

import jax
import jax.numpy as jnp
from jax import lax
from jax.experimental import pallas as pl
from jax.experimental.pallas import tpu as pltpu
from jax.experimental.pallas import tpu_sc as plsc

N = 100000
E = 6400000
DAMP = 0.7

NC = 2
NS = 16
NW = NC * NS
EPW = E // NW
C = 4000
NCHUNK = EPW // C

N_PAD = 102400
F_PAD = 300032


def _prep_body(pol_ref, out_ref):
    x = pol_ref[...]
    out_ref[...] = lax.rsqrt(lax.sqrt(x))


def _combine_body(p_ref, out_ref):
    out_ref[...] = p_ref[0] + p_ref[1]


def _nrsqrt(x):
    i = lax.bitcast_convert_type(x, jnp.int32)
    i = jnp.int32(0x5F3759DF) - lax.shift_right_arithmetic(i, 1)
    y = lax.bitcast_convert_type(i, jnp.float32)
    for _ in range(3):
        y = y * (1.5 - 0.5 * x * y * y)
    return y


def _sc_field(src, dst, dist, vx, vy, vz, charges, pim, zeros):
    mesh = plsc.VectorSubcoreMesh(core_axis_name="c", subcore_axis_name="s")

    @functools.partial(
        pl.kernel,
        mesh=mesh,
        compiler_params=pltpu.CompilerParams(needs_layout_passes=False),
        out_type=jax.ShapeDtypeStruct((NC, 3 * N), jnp.float32),
        scratch_types=[
            [[pltpu.VMEM((C,), jnp.int32),
              pltpu.VMEM((C,), jnp.int32),
              pltpu.VMEM((C,), jnp.float32),
              pltpu.VMEM((C,), jnp.float32),
              pltpu.VMEM((C,), jnp.float32),
              pltpu.VMEM((C,), jnp.float32)]
             for _ in range(2)],
            pltpu.VMEM((C,), jnp.float32),
            pltpu.VMEM((C,), jnp.float32),
            pltpu.VMEM((C,), jnp.float32),
            pltpu.VMEM((C,), jnp.float32),
            pltpu.VMEM((C,), jnp.float32),
            pltpu.VMEM((C,), jnp.float32),
            pltpu.VMEM((C,), jnp.int32),
            pltpu.VMEM((C,), jnp.int32),
            pltpu.VMEM((C,), jnp.int32),
            pltpu.VMEM_SHARED((N,), jnp.float32),
            pltpu.VMEM_SHARED((N,), jnp.float32),
            pltpu.VMEM_SHARED((3 * N,), jnp.float32),
            [pltpu.SemaphoreType.DMA for _ in range(2)],
            pltpu.SemaphoreType.DMA,
            pltpu.SemaphoreType.DMA,
        ],
    )
    def k(src_hbm, dst_hbm, dist_hbm, vx_hbm, vy_hbm, vz_hbm, charges_hbm,
          pim_hbm, zeros_hbm, out_hbm, lin_bufs, qd, ws, wd, ox, oy, oz,
          ix, iy, iz, charges_sp, pim_sp, field_sp, lsems, gsem, ssem):
        cid = lax.axis_index("c")
        sid = lax.axis_index("s")
        wid = sid * NC + cid
        hbm_ins = [src_hbm, dst_hbm, dist_hbm, vx_hbm, vy_hbm, vz_hbm]

        @pl.when(sid == 0)
        def _():
            pltpu.sync_copy(charges_hbm, charges_sp)
            pltpu.sync_copy(pim_hbm, pim_sp)
            pltpu.sync_copy(zeros_hbm, field_sp)

        plsc.subcore_barrier()

        def issue_linear(ch, p):
            base = wid * EPW + ch * C
            sl_in = pl.ds(base, C)
            for h, v in zip(hbm_ins, lin_bufs[p]):
                pltpu.async_copy(h.at[sl_in], v, lsems[p])

        def drain_linear(p):
            for h, v in zip(hbm_ins, lin_bufs[p]):
                pltpu.make_async_copy(h.at[pl.ds(0, C)], v, lsems[p]).wait()

        def process(ch, p):
            drain_linear(p)
            src_v, dst_v, dist_v, vx_v, vy_v, vz_v = lin_bufs[p]
            g1 = pltpu.async_copy(charges_sp.at[dst_v], qd, gsem)
            g2 = pltpu.async_copy(pim_sp.at[src_v], ws, gsem)
            g3 = pltpu.async_copy(pim_sp.at[dst_v], wd, gsem)
            issue_linear(jnp.minimum(ch + 1, NCHUNK - 1), 1 - p)
            g1.wait()
            g2.wait()
            g3.wait()

            def cbody(j, c2):
                sl = pl.ds(j * 16, 16)
                r = dist_v[sl]
                y = _nrsqrt(r)
                r15 = r * r * y
                u15 = r15 * ws[sl] * wd[sl]
                damp = 1.0 - jnp.exp(-DAMP * u15)
                y2 = y * y
                rinv3 = y2 * y2 * y2
                cf = -(qd[sl] * damp) * rinv3
                s3 = src_v[sl] * 3
                ix[sl] = s3
                iy[sl] = s3 + 1
                iz[sl] = s3 + 2
                ox[sl] = cf * vx_v[sl]
                oy[sl] = cf * vy_v[sl]
                oz[sl] = cf * vz_v[sl]
                return c2

            lax.fori_loop(0, C // 16, cbody, 0)

            s1 = pltpu.async_copy(ox, field_sp.at[ix], ssem, add=True)
            s2 = pltpu.async_copy(oy, field_sp.at[iy], ssem, add=True)
            s3 = pltpu.async_copy(oz, field_sp.at[iz], ssem, add=True)
            s1.wait()
            s2.wait()
            s3.wait()

        issue_linear(0, 0)

        def body2(m, carry):
            process(2 * m, 0)
            process(2 * m + 1, 1)
            return carry

        lax.fori_loop(0, NCHUNK // 2, body2, 0)
        drain_linear(0)

        plsc.subcore_barrier()

        @pl.when(sid == 0)
        def _():
            pltpu.sync_copy(field_sp, out_hbm.at[cid])

    return k(src, dst, dist, vx, vy, vz, charges, pim, zeros)


def kernel(species, edge_src, edge_dst, distances, vec, charges, polarisability):
    del species
    src = edge_src.astype(jnp.int32)
    dst = edge_dst.astype(jnp.int32)
    dist = distances.astype(jnp.float32)
    v32 = vec.astype(jnp.float32)
    vx, vy, vz = v32[:, 0], v32[:, 1], v32[:, 2]

    pol_p = jnp.pad(polarisability.astype(jnp.float32), (0, N_PAD - N),
                    constant_values=1.0).reshape(N_PAD // 128 // 8, 8, 128)
    pim = pl.pallas_call(
        _prep_body,
        out_shape=jax.ShapeDtypeStruct(pol_p.shape, jnp.float32),
    )(pol_p).reshape(-1)[:N]

    zeros = jnp.zeros((3 * N,), jnp.float32)
    partials = _sc_field(src, dst, dist, vx, vy, vz,
                         charges.astype(jnp.float32), pim, zeros)

    part_p = jnp.pad(partials, ((0, 0), (0, F_PAD - 3 * N)))
    part_p = part_p.reshape(2, F_PAD // 128 // 8, 8, 128)
    out = pl.pallas_call(
        _combine_body,
        out_shape=jax.ShapeDtypeStruct(part_p.shape[1:], jnp.float32),
    )(part_p)
    return out.reshape(-1)[:3 * N]

# --- scband reference (transcript-rebuilt; emitter-appended) ---
"""Pipeline reference for scband-electric-field-55284819034161 (READ-ONLY COPY).

The authoritative reference and input builder live on the scoring server;
editing this copy changes nothing except your own understanding.
"""

import jax, jax.numpy as jnp
import numpy as np

BOHR = 0.52917721092  # Au.BOHR
DAMPING_PARAM = 0.7
N_NODES = 100000
N_EDGES = 6400000


def setup_inputs(seed: int = 0) -> dict:
    key = jax.random.key(seed)
    ks = jax.random.split(key, 7)
    N, E = N_NODES, N_EDGES
    species = jax.random.randint(ks[0], (N,), 1, 100)
    edge_src = jax.random.randint(ks[1], (E,), 0, N)
    edge_dst = jax.random.randint(ks[2], (E,), 0, N)
    # distances strictly positive (interatomic distances in Angstrom)
    distances = jax.random.uniform(ks[3], (E,), minval=1.0, maxval=5.0, dtype=jnp.float32)
    # vec is the displacement vector with norm == distances
    raw = jax.random.normal(ks[4], (E, 3), dtype=jnp.float32)
    raw = raw / (jnp.linalg.norm(raw, axis=-1, keepdims=True) + 1e-9)
    vec = raw * distances[:, None]
    charges = 0.1 * jax.random.normal(ks[5], (N,), dtype=jnp.float32)
    # polarisability strictly positive (divided after 1/6 power)
    polarisability = jax.random.uniform(ks[6], (N,), minval=0.5, maxval=2.0, dtype=jnp.float32)
    return {
        "species": species,
        "edge_src": edge_src,
        "edge_dst": edge_dst,
        "distances": distances,
        "vec": vec,
        "charges": charges,
        "polarisability": polarisability,
    }


def reference(species, edge_src, edge_dst, distances, vec, charges, polarisability):
    # Faithful translation of ElectricField.__call__ with the nested input dict
    # flattened into explicit args. 'training_flag' is absent -> testing path.
    rij = distances / BOHR
    vec_ij = vec / BOHR
    rij = rij[:, None]
    pol = polarisability / BOHR ** 3
    # testing branch: undo atomic-unit conversion
    rij = rij * BOHR
    vec_ij = vec_ij * BOHR
    pol = pol * BOHR ** 3
    q_ij = charges[edge_dst, None]          # [E, 1] gather
    pol_src = pol[edge_src]                 # [E]    gather
    pol_dst = pol[edge_dst]                 # [E]    gather
    alpha_ij = pol_dst * pol_src            # [E]
    uij = rij[:, 0] / alpha_ij ** (1.0 / 6.0)   # [E] per-edge scalar (Thole damping)
    damping_field = 1.0 - jnp.exp(-DAMPING_PARAM * uij ** 1.5)[:, None]  # [E, 1]
    eij = -q_ij * (vec_ij / rij ** 3) * damping_field                     # [E, 3]
    electric_field = jax.ops.segment_sum(eij, edge_src, species.shape[0]).flatten()  # [3*N]
    return electric_field

if __name__ == "__main__":
    import jax
    _d = setup_inputs()
    print(jax.jit(kernel)(*tuple(_d.values())))

</pallas_src>

<mosaic_0001>
#map = affine_map<(d0, d1) -> (0)>
#map1 = affine_map<(d0, d1) -> (0, 0)>
module attributes {stable_mosaic.version = 14 : i64} {
  func.func @k(%arg0: i32, %arg1: i32, %arg2: memref<6400000xi32, #tpu.memory_space<hbm>>, %arg3: memref<6400000xi32, #tpu.memory_space<hbm>>, %arg4: memref<6400000xf32, #tpu.memory_space<hbm>>, %arg5: memref<6400000xf32, #tpu.memory_space<hbm>>, %arg6: memref<6400000xf32, #tpu.memory_space<hbm>>, %arg7: memref<6400000xf32, #tpu.memory_space<hbm>>, %arg8: memref<100000xf32, #tpu.memory_space<hbm>>, %arg9: memref<100000xf32, #tpu.memory_space<hbm>>, %arg10: memref<300000xf32, #tpu.memory_space<hbm>>, %arg11: memref<2x300000xf32, #tpu.memory_space<hbm>>, %arg12: memref<4000xi32, #tpu.memory_space<vmem>>, %arg13: memref<4000xi32, #tpu.memory_space<vmem>>, %arg14: memref<4000xf32, #tpu.memory_space<vmem>>, %arg15: memref<4000xf32, #tpu.memory_space<vmem>>, %arg16: memref<4000xf32, #tpu.memory_space<vmem>>, %arg17: memref<4000xf32, #tpu.memory_space<vmem>>, %arg18: memref<4000xi32, #tpu.memory_space<vmem>>, %arg19: memref<4000xi32, #tpu.memory_space<vmem>>, %arg20: memref<4000xf32, #tpu.memory_space<vmem>>, %arg21: memref<4000xf32, #tpu.memory_space<vmem>>, %arg22: memref<4000xf32, #tpu.memory_space<vmem>>, %arg23: memref<4000xf32, #tpu.memory_space<vmem>>, %arg24: memref<4000xf32, #tpu.memory_space<vmem>>, %arg25: memref<4000xf32, #tpu.memory_space<vmem>>, %arg26: memref<4000xf32, #tpu.memory_space<vmem>>, %arg27: memref<4000xf32, #tpu.memory_space<vmem>>, %arg28: memref<4000xf32, #tpu.memory_space<vmem>>, %arg29: memref<4000xf32, #tpu.memory_space<vmem>>, %arg30: memref<4000xi32, #tpu.memory_space<vmem>>, %arg31: memref<4000xi32, #tpu.memory_space<vmem>>, %arg32: memref<4000xi32, #tpu.memory_space<vmem>>, %arg33: memref<100000xf32, #tpu.memory_space<vmem_shared>>, %arg34: memref<100000xf32, #tpu.memory_space<vmem_shared>>, %arg35: memref<300000xf32, #tpu.memory_space<vmem_shared>>, %arg36: memref<!tpu.dma_semaphore, #tpu.memory_space<semaphore_mem>>, %arg37: memref<!tpu.dma_semaphore, #tpu.memory_space<semaphore_mem>>, %arg38: memref<!tpu.dma_semaphore, #tpu.memory_space<semaphore_mem>>, %arg39: memref<!tpu.dma_semaphore, #tpu.memory_space<semaphore_mem>>) attributes {dimension_semantics = [#tpu.dimension_semantics<core_parallel>, #tpu.dimension_semantics<subcore_parallel>], iteration_bounds = array<i64: 2, 16>, scalar_prefetch = 0 : i64, scratch_operands = 28 : i64, tpu.core_type = #tpu.core_type<sc_vector_subcore>, window_params = [{transform_indices = #map}, {transform_indices = #map}, {transform_indices = #map}, {transform_indices = #map}, {transform_indices = #map}, {transform_indices = #map}, {transform_indices = #map}, {transform_indices = #map}, {transform_indices = #map}, {transform_indices = #map1}]} {
    %mul3A = arith.constant 2 : i32
    %mul3A_0 = arith.muli %arg1, %mul3A : i32
    %add3A = arith.addi %mul3A_0, %arg0 : i32
    %eq3A = arith.constant 0 : i32
    %eq3A_1 = arith.cmpi eq, %arg1, %eq3A : i32
    %convert_element_type3A = arith.extui %eq3A_1 : i1 to i32
    %cond3A = arith.constant 0 : i32
    %cond3A_2 = arith.cmpi ne, %convert_element_type3A, %cond3A : i32
    scf.if %cond3A_2 {
      "tpu.region"() ({
        %run_scoped3A = tpu.sem_alloc : memref<!tpu.dma_semaphore, #tpu.memory_space<semaphore_mem>>
        tpu.enqueue_dma source(%arg8 : memref<100000xf32, #tpu.memory_space<hbm>>) target(%arg33 : memref<100000xf32, #tpu.memory_space<vmem_shared>>) target_semaphore(%run_scoped3A : memref<!tpu.dma_semaphore, #tpu.memory_space<semaphore_mem>>)
        tpu.wait_dma2 semaphore(%run_scoped3A : memref<!tpu.dma_semaphore, #tpu.memory_space<semaphore_mem>>) src(%arg8 : memref<100000xf32, #tpu.memory_space<hbm>>) dst(%arg33 : memref<100000xf32, #tpu.memory_space<vmem_shared>>)
        tpu.yield
      }) : () -> ()
      "tpu.region"() ({
        %run_scoped3A = tpu.sem_alloc : memref<!tpu.dma_semaphore, #tpu.memory_space<semaphore_mem>>
        tpu.enqueue_dma source(%arg9 : memref<100000xf32, #tpu.memory_space<hbm>>) target(%arg34 : memref<100000xf32, #tpu.memory_space<vmem_shared>>) target_semaphore(%run_scoped3A : memref<!tpu.dma_semaphore, #tpu.memory_space<semaphore_mem>>)
        tpu.wait_dma2 semaphore(%run_scoped3A : memref<!tpu.dma_semaphore, #tpu.memory_space<semaphore_mem>>) src(%arg9 : memref<100000xf32, #tpu.memory_space<hbm>>) dst(%arg34 : memref<100000xf32, #tpu.memory_space<vmem_shared>>)
        tpu.yield
      }) : () -> ()
      "tpu.region"() ({
        %run_scoped3A = tpu.sem_alloc : memref<!tpu.dma_semaphore, #tpu.memory_space<semaphore_mem>>
        tpu.enqueue_dma source(%arg10 : memref<300000xf32, #tpu.memory_space<hbm>>) target(%arg35 : memref<300000xf32, #tpu.memory_space<vmem_shared>>) target_semaphore(%run_scoped3A : memref<!tpu.dma_semaphore, #tpu.memory_space<semaphore_mem>>)
        tpu.wait_dma2 semaphore(%run_scoped3A : memref<!tpu.dma_semaphore, #tpu.memory_space<semaphore_mem>>) src(%arg10 : memref<300000xf32, #tpu.memory_space<hbm>>) dst(%arg35 : memref<300000xf32, #tpu.memory_space<vmem_shared>>)
        tpu.yield
      }) : () -> ()
    } else {
    }
    %barrier3A = arith.constant 0 : index
    tpu.barrier barrier_id(%barrier3A)
    %mul3A_3 = arith.constant 200000 : i32
    %mul3A_4 = arith.muli %add3A, %mul3A_3 : i32
    %add3A_5 = arith.constant 0 : i32
    %add3A_6 = arith.addi %mul3A_4, %add3A_5 : i32
    %dma_start3A = tpu.memref_slice %arg2[%add3A_6] : memref<6400000xi32, #tpu.memory_space<hbm>> -> memref<4000xi32, #tpu.memory_space<hbm>>
    %dma_start3A_7 = tpu.memref_slice %arg2[%add3A_6] : memref<6400000xi32, #tpu.memory_space<hbm>> -> memref<4000xi32, #tpu.memory_space<hbm>>
    tpu.enqueue_dma source(%dma_start3A_7 : memref<4000xi32, #tpu.memory_space<hbm>>) target(%arg12 : memref<4000xi32, #tpu.memory_space<vmem>>) target_semaphore(%arg36 : memref<!tpu.dma_semaphore, #tpu.memory_space<semaphore_mem>>)
    %dma_start3A_8 = tpu.memref_slice %arg3[%add3A_6] : memref<6400000xi32, #tpu.memory_space<hbm>> -> memref<4000xi32, #tpu.memory_space<hbm>>
    %dma_start3A_9 = tpu.memref_slice %arg3[%add3A_6] : memref<6400000xi32, #tpu.memory_space<hbm>> -> memref<4000xi32, #tpu.memory_space<hbm>>
    tpu.enqueue_dma source(%dma_start3A_9 : memref<4000xi32, #tpu.memory_space<hbm>>) target(%arg13 : memref<4000xi32, #tpu.memory_space<vmem>>) target_semaphore(%arg36 : memref<!tpu.dma_semaphore, #tpu.memory_space<semaphore_mem>>)
    %dma_start3A_10 = tpu.memref_slice %arg4[%add3A_6] : memref<6400000xf32, #tpu.memory_space<hbm>> -> memref<4000xf32, #tpu.memory_space<hbm>>
    %dma_start3A_11 = tpu.memref_slice %arg4[%add3A_6] : memref<6400000xf32, #tpu.memory_space<hbm>> -> memref<4000xf32, #tpu.memory_space<hbm>>
    tpu.enqueue_dma source(%dma_start3A_11 : memref<4000xf32, #tpu.memory_space<hbm>>) target(%arg14 : memref<4000xf32, #tpu.memory_space<vmem>>) target_semaphore(%arg36 : memref<!tpu.dma_semaphore, #tpu.memory_space<semaphore_mem>>)
    %dma_start3A_12 = tpu.memref_slice %arg5[%add3A_6] : memref<6400000xf32, #tpu.memory_space<hbm>> -> memref<4000xf32, #tpu.memory_space<hbm>>
    %dma_start3A_13 = tpu.memref_slice %arg5[%add3A_6] : memref<6400000xf32, #tpu.memory_space<hbm>> -> memref<4000xf32, #tpu.memory_space<hbm>>
    tpu.enqueue_dma source(%dma_start3A_13 : memref<4000xf32, #tpu.memory_space<hbm>>) target(%arg15 : memref<4000xf32, #tpu.memory_space<vmem>>) target_semaphore(%arg36 : memref<!tpu.dma_semaphore, #tpu.memory_space<semaphore_mem>>)
    %dma_start3A_14 = tpu.memref_slice %arg6[%add3A_6] : memref<6400000xf32, #tpu.memory_space<hbm>> -> memref<4000xf32, #tpu.memory_space<hbm>>
    %dma_start3A_15 = tpu.memref_slice %arg6[%add3A_6] : memref<6400000xf32, #tpu.memory_space<hbm>> -> memref<4000xf32, #tpu.memory_space<hbm>>
    tpu.enqueue_dma source(%dma_start3A_15 : memref<4000xf32, #tpu.memory_space<hbm>>) target(%arg16 : memref<4000xf32, #tpu.memory_space<vmem>>) target_semaphore(%arg36 : memref<!tpu.dma_semaphore, #tpu.memory_space<semaphore_mem>>)
    %dma_start3A_16 = tpu.memref_slice %arg7[%add3A_6] : memref<6400000xf32, #tpu.memory_space<hbm>> -> memref<4000xf32, #tpu.memory_space<hbm>>
    %dma_start3A_17 = tpu.memref_slice %arg7[%add3A_6] : memref<6400000xf32, #tpu.memory_space<hbm>> -> memref<4000xf32, #tpu.memory_space<hbm>>
    tpu.enqueue_dma source(%dma_start3A_17 : memref<4000xf32, #tpu.memory_space<hbm>>) target(%arg17 : memref<4000xf32, #tpu.memory_space<vmem>>) target_semaphore(%arg36 : memref<!tpu.dma_semaphore, #tpu.memory_space<semaphore_mem>>)
    %scan3A = arith.constant 0 : i32
    %scan3A_18 = arith.constant 0 : i32
    %scan3A_19 = arith.constant 25 : i32
    %scan3A_20 = arith.addi %scan3A_18, %scan3A_19 : i32
    %scan3A_21 = arith.constant 1 : i32
    scf.for %scan3A_52 = %scan3A_18 to %scan3A_20 step %scan3A_21  : i32 {
      %mul3A_53 = arith.constant 2 : i32
      %mul3A_54 = arith.muli %mul3A_53, %scan3A_52 : i32
      %dma_wait3A_55 = arith.constant 0 : i32
      %dma_wait3A_56 = tpu.memref_slice %arg2[%dma_wait3A_55] : memref<6400000xi32, #tpu.memory_space<hbm>> -> memref<4000xi32, #tpu.memory_space<hbm>>
      %dma_wait3A_57 = arith.constant 0 : i32
      %dma_wait3A_58 = tpu.memref_slice %arg2[%dma_wait3A_57] : memref<6400000xi32, #tpu.memory_space<hbm>> -> memref<4000xi32, #tpu.memory_space<hbm>>
      tpu.wait_dma2 semaphore(%arg36 : memref<!tpu.dma_semaphore, #tpu.memory_space<semaphore_mem>>) src(%dma_wait3A_58 : memref<4000xi32, #tpu.memory_space<hbm>>) dst(%arg12 : memref<4000xi32, #tpu.memory_space<vmem>>)
      %dma_wait3A_59 = arith.constant 0 : i32
      %dma_wait3A_60 = tpu.memref_slice %arg3[%dma_wait3A_59] : memref<6400000xi32, #tpu.memory_space<hbm>> -> memref<4000xi32, #tpu.memory_space<hbm>>
      %dma_wait3A_61 = arith.constant 0 : i32
      %dma_wait3A_62 = tpu.memref_slice %arg3[%dma_wait3A_61] : memref<6400000xi32, #tpu.memory_space<hbm>> -> memref<4000xi32, #tpu.memory_space<hbm>>
      tpu.wait_dma2 semaphore(%arg36 : memref<!tpu.dma_semaphore, #tpu.memory_space<semaphore_mem>>) src(%dma_wait3A_62 : memref<4000xi32, #tpu.memory_space<hbm>>) dst(%arg13 : memref<4000xi32, #tpu.memory_space<vmem>>)
      %dma_wait3A_63 = arith.constant 0 : i32
      %dma_wait3A_64 = tpu.memref_slice %arg4[%dma_wait3A_63] : memref<6400000xf32, #tpu.memory_space<hbm>> -> memref<4000xf32, #tpu.memory_space<hbm>>
      %dma_wait3A_65 = arith.constant 0 : i32
      %dma_wait3A_66 = tpu.memref_slice %arg4[%dma_wait3A_65] : memref<6400000xf32, #tpu.memory_space<hbm>> -> memref<4000xf32, #tpu.memory_space<hbm>>
      tpu.wait_dma2 semaphore(%arg36 : memref<!tpu.dma_semaphore, #tpu.memory_space<semaphore_mem>>) src(%dma_wait3A_66 : memref<4000xf32, #tpu.memory_space<hbm>>) dst(%arg14 : memref<4000xf32, #tpu.memory_space<vmem>>)
      %dma_wait3A_67 = arith.constant 0 : i32
      %dma_wait3A_68 = tpu.memref_slice %arg5[%dma_wait3A_67] : memref<6400000xf32, #tpu.memory_space<hbm>> -> memref<4000xf32, #tpu.memory_space<hbm>>
      %dma_wait3A_69 = arith.constant 0 : i32
      %dma_wait3A_70 = tpu.memref_slice %arg5[%dma_wait3A_69] : memref<6400000xf32, #tpu.memory_space<hbm>> -> memref<4000xf32, #tpu.memory_space<hbm>>
      tpu.wait_dma2 semaphore(%arg36 : memref<!tpu.dma_semaphore, #tpu.memory_space<semaphore_mem>>) src(%dma_wait3A_70 : memref<4000xf32, #tpu.memory_space<hbm>>) dst(%arg15 : memref<4000xf32, #tpu.memory_space<vmem>>)
      %dma_wait3A_71 = arith.constant 0 : i32
      %dma_wait3A_72 = tpu.memref_slice %arg6[%dma_wait3A_71] : memref<6400000xf32, #tpu.memory_space<hbm>> -> memref<4000xf32, #tpu.memory_space<hbm>>
      %dma_wait3A_73 = arith.constant 0 : i32
      %dma_wait3A_74 = tpu.memref_slice %arg6[%dma_wait3A_73] : memref<6400000xf32, #tpu.memory_space<hbm>> -> memref<4000xf32, #tpu.memory_space<hbm>>
      tpu.wait_dma2 semaphore(%arg36 : memref<!tpu.dma_semaphore, #tpu.memory_space<semaphore_mem>>) src(%dma_wait3A_74 : memref<4000xf32, #tpu.memory_space<hbm>>) dst(%arg16 : memref<4000xf32, #tpu.memory_space<vmem>>)
      %dma_wait3A_75 = arith.constant 0 : i32
      %dma_wait3A_76 = tpu.memref_slice %arg7[%dma_wait3A_75] : memref<6400000xf32, #tpu.memory_space<hbm>> -> memref<4000xf32, #tpu.memory_space<hbm>>
      %dma_wait3A_77 = arith.constant 0 : i32
      %dma_wait3A_78 = tpu.memref_slice %arg7[%dma_wait3A_77] : memref<6400000xf32, #tpu.memory_space<hbm>> -> memref<4000xf32, #tpu.memory_space<hbm>>
      tpu.wait_dma2 semaphore(%arg36 : memref<!tpu.dma_semaphore, #tpu.memory_space<semaphore_mem>>) src(%dma_wait3A_78 : memref<4000xf32, #tpu.memory_space<hbm>>) dst(%arg17 : memref<4000xf32, #tpu.memory_space<vmem>>)
      %dma_start3A_79 = arith.constant 0 : i32
      %dma_start3A_80 = tpu.memref_slice %arg33[%dma_start3A_79] : memref<100000xf32, #tpu.memory_space<vmem_shared>> -> memref<100000xf32, #tpu.memory_space<vmem_shared>>
      tpu.enqueue_indirect_dma source(%dma_start3A_80 : memref<100000xf32, #tpu.memory_space<vmem_shared>>) target(%arg24 : memref<4000xf32, #tpu.memory_space<vmem>>) offsets(%arg13 : memref<4000xi32, #tpu.memory_space<vmem>>) semaphore(%arg38 : memref<!tpu.dma_semaphore, #tpu.memory_space<semaphore_mem>>)
      %dma_start3A_81 = arith.constant 0 : i32
      %dma_start3A_82 = tpu.memref_slice %arg34[%dma_start3A_81] : memref<100000xf32, #tpu.memory_space<vmem_shared>> -> memref<100000xf32, #tpu.memory_space<vmem_shared>>
      tpu.enqueue_indirect_dma source(%dma_start3A_82 : memref<100000xf32, #tpu.memory_space<vmem_shared>>) target(%arg25 : memref<4000xf32, #tpu.memory_space<vmem>>) offsets(%arg12 : memref<4000xi32, #tpu.memory_space<vmem>>) semaphore(%arg38 : memref<!tpu.dma_semaphore, #tpu.memory_space<semaphore_mem>>)
      %dma_start3A_83 = arith.constant 0 : i32
      %dma_start3A_84 = tpu.memref_slice %arg34[%dma_start3A_83] : memref<100000xf32, #tpu.memory_space<vmem_shared>> -> memref<100000xf32, #tpu.memory_space<vmem_shared>>
      tpu.enqueue_indirect_dma source(%dma_start3A_84 : memref<100000xf32, #tpu.memory_space<vmem_shared>>) target(%arg26 : memref<4000xf32, #tpu.memory_space<vmem>>) offsets(%arg13 : memref<4000xi32, #tpu.memory_space<vmem>>) semaphore(%arg38 : memref<!tpu.dma_semaphore, #tpu.memory_space<semaphore_mem>>)
      %add3A_85 = arith.constant 1 : i32
      %add3A_86 = arith.addi %mul3A_54, %add3A_85 : i32
      %min3A = arith.constant 49 : i32
      %min3A_87 = arith.minsi %add3A_86, %min3A : i32
      %mul3A_88 = arith.constant 200000 : i32
      %mul3A_89 = arith.muli %add3A, %mul3A_88 : i32
      %mul3A_90 = arith.constant 4000 : i32
      %mul3A_91 = arith.muli %min3A_87, %mul3A_90 : i32
      %add3A_92 = arith.addi %mul3A_89, %mul3A_91 : i32
      %dma_start3A_93 = tpu.memref_slice %arg2[%add3A_92] : memref<6400000xi32, #tpu.memory_space<hbm>> -> memref<4000xi32, #tpu.memory_space<hbm>>
      %dma_start3A_94 = tpu.memref_slice %arg2[%add3A_92] : memref<6400000xi32, #tpu.memory_space<hbm>> -> memref<4000xi32, #tpu.memory_space<hbm>>
      tpu.enqueue_dma source(%dma_start3A_94 : memref<4000xi32, #tpu.memory_space<hbm>>) target(%arg18 : memref<4000xi32, #tpu.memory_space<vmem>>) target_semaphore(%arg37 : memref<!tpu.dma_semaphore, #tpu.memory_space<semaphore_mem>>)
      %dma_start3A_95 = tpu.memref_slice %arg3[%add3A_92] : memref<6400000xi32, #tpu.memory_space<hbm>> -> memref<4000xi32, #tpu.memory_space<hbm>>
      %dma_start3A_96 = tpu.memref_slice %arg3[%add3A_92] : memref<6400000xi32, #tpu.memory_space<hbm>> -> memref<4000xi32, #tpu.memory_space<hbm>>
      tpu.enqueue_dma source(%dma_start3A_96 : memref<4000xi32, #tpu.memory_space<hbm>>) target(%arg19 : memref<4000xi32, #tpu.memory_space<vmem>>) target_semaphore(%arg37 : memref<!tpu.dma_semaphore, #tpu.memory_space<semaphore_mem>>)
      %dma_start3A_97 = tpu.memref_slice %arg4[%add3A_92] : memref<6400000xf32, #tpu.memory_space<hbm>> -> memref<4000xf32, #tpu.memory_space<hbm>>
      %dma_start3A_98 = tpu.memref_slice %arg4[%add3A_92] : memref<6400000xf32, #tpu.memory_space<hbm>> -> memref<4000xf32, #tpu.memory_space<hbm>>
      tpu.enqueue_dma source(%dma_start3A_98 : memref<4000xf32, #tpu.memory_space<hbm>>) target(%arg20 : memref<4000xf32, #tpu.memory_space<vmem>>) target_semaphore(%arg37 : memref<!tpu.dma_semaphore, #tpu.memory_space<semaphore_mem>>)
      %dma_start3A_99 = tpu.memref_slice %arg5[%add3A_92] : memref<6400000xf32, #tpu.memory_space<hbm>> -> memref<4000xf32, #tpu.memory_space<hbm>>
      %dma_start3A_100 = tpu.memref_slice %arg5[%add3A_92] : memref<6400000xf32, #tpu.memory_space<hbm>> -> memref<4000xf32, #tpu.memory_space<hbm>>
      tpu.enqueue_dma source(%dma_start3A_100 : memref<4000xf32, #tpu.memory_space<hbm>>) target(%arg21 : memref<4000xf32, #tpu.memory_space<vmem>>) target_semaphore(%arg37 : memref<!tpu.dma_semaphore, #tpu.memory_space<semaphore_mem>>)
      %dma_start3A_101 = tpu.memref_slice %arg6[%add3A_92] : memref<6400000xf32, #tpu.memory_space<hbm>> -> memref<4000xf32, #tpu.memory_space<hbm>>
      %dma_start3A_102 = tpu.memref_slice %arg6[%add3A_92] : memref<6400000xf32, #tpu.memory_space<hbm>> -> memref<4000xf32, #tpu.memory_space<hbm>>
      tpu.enqueue_dma source(%dma_start3A_102 : memref<4000xf32, #tpu.memory_space<hbm>>) target(%arg22 : memref<4000xf32, #tpu.memory_space<vmem>>) target_semaphore(%arg37 : memref<!tpu.dma_semaphore, #tpu.memory_space<semaphore_mem>>)
      %dma_start3A_103 = tpu.memref_slice %arg7[%add3A_92] : memref<6400000xf32, #tpu.memory_space<hbm>> -> memref<4000xf32, #tpu.memory_space<hbm>>
      %dma_start3A_104 = tpu.memref_slice %arg7[%add3A_92] : memref<6400000xf32, #tpu.memory_space<hbm>> -> memref<4000xf32, #tpu.memory_space<hbm>>
      tpu.enqueue_dma source(%dma_start3A_104 : memref<4000xf32, #tpu.memory_space<hbm>>) target(%arg23 : memref<4000xf32, #tpu.memory_space<vmem>>) target_semaphore(%arg37 : memref<!tpu.dma_semaphore, #tpu.memory_space<semaphore_mem>>)
      %dma_wait3A_105 = arith.constant 0 : i32
      %dma_wait3A_106 = tpu.memref_slice %arg33[%dma_wait3A_105] : memref<100000xf32, #tpu.memory_space<vmem_shared>> -> memref<100000xf32, #tpu.memory_space<vmem_shared>>
      tpu.wait_indirect_dma semaphore(%arg38 : memref<!tpu.dma_semaphore, #tpu.memory_space<semaphore_mem>>) src(%dma_wait3A_106 : memref<100000xf32, #tpu.memory_space<vmem_shared>>) dst(%arg24 : memref<4000xf32, #tpu.memory_space<vmem>>)
      %dma_wait3A_107 = arith.constant 0 : i32
      %dma_wait3A_108 = tpu.memref_slice %arg34[%dma_wait3A_107] : memref<100000xf32, #tpu.memory_space<vmem_shared>> -> memref<100000xf32, #tpu.memory_space<vmem_shared>>
      tpu.wait_indirect_dma semaphore(%arg38 : memref<!tpu.dma_semaphore, #tpu.memory_space<semaphore_mem>>) src(%dma_wait3A_108 : memref<100000xf32, #tpu.memory_space<vmem_shared>>) dst(%arg25 : memref<4000xf32, #tpu.memory_space<vmem>>)
      %dma_wait3A_109 = arith.constant 0 : i32
      %dma_wait3A_110 = tpu.memref_slice %arg34[%dma_wait3A_109] : memref<100000xf32, #tpu.memory_space<vmem_shared>> -> memref<100000xf32, #tpu.memory_space<vmem_shared>>
      tpu.wait_indirect_dma semaphore(%arg38 : memref<!tpu.dma_semaphore, #tpu.memory_space<semaphore_mem>>) src(%dma_wait3A_110 : memref<100000xf32, #tpu.memory_space<vmem_shared>>) dst(%arg26 : memref<4000xf32, #tpu.memory_space<vmem>>)
      %scan3A_111 = arith.constant 0 : i32
      %scan3A_112 = arith.constant 0 : i32
      %scan3A_113 = arith.constant 250 : i32
      %scan3A_114 = arith.addi %scan3A_112, %scan3A_113 : i32
      %scan3A_115 = arith.constant 1 : i32
      scf.for %scan3A_208 = %scan3A_112 to %scan3A_114 step %scan3A_115  : i32 {
        %mul3A_209 = arith.constant 16 : i32
        %mul3A_210 = arith.muli %scan3A_208, %mul3A_209 : i32
        %get3A = arith.index_cast %mul3A_210 : i32 to index
        %get3A_211 = tpu.vector_load %arg14[%get3A] {strides = array<i32>} : memref<4000xf32, #tpu.memory_space<vmem>>, vector<16xf32>,
        %bitcast_convert_type3A = tpu.bitcast %get3A_211 : vector<16xf32> -> vector<16xi32>
        %shift_right_arithmetic3A = arith.constant 1 : i32
        %shift_right_arithmetic3A_212 = vector.broadcast %shift_right_arithmetic3A : i32 to vector<16xi32>
        %shift_right_arithmetic3A_213 = arith.shrsi %bitcast_convert_type3A, %shift_right_arithmetic3A_212 : vector<16xi32>
        %sub3A = arith.constant 1597463007 : i32
        %sub3A_214 = vector.broadcast %sub3A : i32 to vector<16xi32>
        %sub3A_215 = arith.subi %sub3A_214, %shift_right_arithmetic3A_213 : vector<16xi32>
        %bitcast_convert_type3A_216 = tpu.bitcast %sub3A_215 : vector<16xi32> -> vector<16xf32>
        %mul3A_217 = arith.constant 5.000000e-01 : f32
        %mul3A_218 = vector.broadcast %mul3A_217 : f32 to vector<16xf32>
        %mul3A_219 = arith.mulf %mul3A_218, %get3A_211 : vector<16xf32>
        %mul3A_220 = arith.mulf %mul3A_219, %bitcast_convert_type3A_216 : vector<16xf32>
        %mul3A_221 = arith.mulf %mul3A_220, %bitcast_convert_type3A_216 : vector<16xf32>
        %sub3A_222 = arith.constant 1.500000e+00 : f32
        %sub3A_223 = vector.broadcast %sub3A_222 : f32 to vector<16xf32>
        %sub3A_224 = arith.subf %sub3A_223, %mul3A_221 : vector<16xf32>
        %mul3A_225 = arith.mulf %bitcast_convert_type3A_216, %sub3A_224 : vector<16xf32>
        %mul3A_226 = arith.constant 5.000000e-01 : f32
        %mul3A_227 = vector.broadcast %mul3A_226 : f32 to vector<16xf32>
        %mul3A_228 = arith.mulf %mul3A_227, %get3A_211 : vector<16xf32>
        %mul3A_229 = arith.mulf %mul3A_228, %mul3A_225 : vector<16xf32>
        %mul3A_230 = arith.mulf %mul3A_229, %mul3A_225 : vector<16xf32>
        %sub3A_231 = arith.constant 1.500000e+00 : f32
        %sub3A_232 = vector.broadcast %sub3A_231 : f32 to vector<16xf32>
        %sub3A_233 = arith.subf %sub3A_232, %mul3A_230 : vector<16xf32>
        %mul3A_234 = arith.mulf %mul3A_225, %sub3A_233 : vector<16xf32>
        %mul3A_235 = arith.constant 5.000000e-01 : f32
        %mul3A_236 = vector.broadcast %mul3A_235 : f32 to vector<16xf32>
        %mul3A_237 = arith.mulf %mul3A_236, %get3A_211 : vector<16xf32>
        %mul3A_238 = arith.mulf %mul3A_237, %mul3A_234 : vector<16xf32>
        %mul3A_239 = arith.mulf %mul3A_238, %mul3A_234 : vector<16xf32>
        %sub3A_240 = arith.constant 1.500000e+00 : f32
        %sub3A_241 = vector.broadcast %sub3A_240 : f32 to vector<16xf32>
        %sub3A_242 = arith.subf %sub3A_241, %mul3A_239 : vector<16xf32>
        %mul3A_243 = arith.mulf %mul3A_234, %sub3A_242 : vector<16xf32>
        %mul3A_244 = arith.mulf %get3A_211, %get3A_211 : vector<16xf32>
        %mul3A_245 = arith.mulf %mul3A_244, %mul3A_243 : vector<16xf32>
        %get3A_246 = arith.index_cast %mul3A_210 : i32 to index
        %get3A_247 = tpu.vector_load %arg25[%get3A_246] {strides = array<i32>} : memref<4000xf32, #tpu.memory_space<vmem>>, vector<16xf32>,
        %mul3A_248 = arith.mulf %mul3A_245, %get3A_247 : vector<16xf32>
        %get3A_249 = arith.index_cast %mul3A_210 : i32 to index
        %get3A_250 = tpu.vector_load %arg26[%get3A_249] {strides = array<i32>} : memref<4000xf32, #tpu.memory_space<vmem>>, vector<16xf32>,
        %mul3A_251 = arith.mulf %mul3A_248, %get3A_250 : vector<16xf32>
        %mul3A_252 = arith.constant -0.699999988 : f32
        %mul3A_253 = vector.broadcast %mul3A_252 : f32 to vector<16xf32>
        %mul3A_254 = arith.mulf %mul3A_253, %mul3A_251 : vector<16xf32>
        %exp3A = math.exp %mul3A_254 : vector<16xf32>
        %sub3A_255 = arith.constant 1.000000e+00 : f32
        %sub3A_256 = vector.broadcast %sub3A_255 : f32 to vector<16xf32>
        %sub3A_257 = arith.subf %sub3A_256, %exp3A : vector<16xf32>
        %mul3A_258 = arith.mulf %mul3A_243, %mul3A_243 : vector<16xf32>
        %mul3A_259 = arith.mulf %mul3A_258, %mul3A_258 : vector<16xf32>
        %mul3A_260 = arith.mulf %mul3A_259, %mul3A_258 : vector<16xf32>
        %get3A_261 = arith.index_cast %mul3A_210 : i32 to index
        %get3A_262 = tpu.vector_load %arg24[%get3A_261] {strides = array<i32>} : memref<4000xf32, #tpu.memory_space<vmem>>, vector<16xf32>,
        %mul3A_263 = arith.mulf %get3A_262, %sub3A_257 : vector<16xf32>
        %neg3A = arith.constant 0.000000e+00 : f32
        %neg3A_264 = vector.broadcast %neg3A : f32 to vector<16xf32>
        %neg3A_265 = arith.subf %neg3A_264, %mul3A_263 : vector<16xf32>
        %mul3A_266 = arith.mulf %neg3A_265, %mul3A_260 : vector<16xf32>
        %get3A_267 = arith.index_cast %mul3A_210 : i32 to index
        %get3A_268 = tpu.vector_load %arg12[%get3A_267] {strides = array<i32>} : memref<4000xi32, #tpu.memory_space<vmem>>, vector<16xi32>,
        %mul3A_269 = arith.constant 3 : i32
        %mul3A_270 = vector.broadcast %mul3A_269 : i32 to vector<16xi32>
        %mul3A_271 = arith.muli %get3A_268, %mul3A_270 : vector<16xi32>
        %swap3A = arith.index_cast %mul3A_210 : i32 to index
        %swap3A_272 = tpu.vector_load %arg30[%swap3A] {strides = array<i32>} : memref<4000xi32, #tpu.memory_space<vmem>>, vector<16xi32>,
        tpu.vector_store %arg30[%swap3A], %mul3A_271 {strides = array<i32>} : memref<4000xi32, #tpu.memory_space<vmem>>, vector<16xi32>,
        %add3A_273 = arith.constant 1 : i32
        %add3A_274 = vector.broadcast %add3A_273 : i32 to vector<16xi32>
        %add3A_275 = arith.addi %mul3A_271, %add3A_274 : vector<16xi32>
        %swap3A_276 = arith.index_cast %mul3A_210 : i32 to index
        %swap3A_277 = tpu.vector_load %arg31[%swap3A_276] {strides = array<i32>} : memref<4000xi32, #tpu.memory_space<vmem>>, vector<16xi32>,
        tpu.vector_store %arg31[%swap3A_276], %add3A_275 {strides = array<i32>} : memref<4000xi32, #tpu.memory_space<vmem>>, vector<16xi32>,
        %add3A_278 = arith.constant 2 : i32
        %add3A_279 = vector.broadcast %add3A_278 : i32 to vector<16xi32>
        %add3A_280 = arith.addi %mul3A_271, %add3A_279 : vector<16xi32>
        %swap3A_281 = arith.index_cast %mul3A_210 : i32 to index
        %swap3A_282 = tpu.vector_load %arg32[%swap3A_281] {strides = array<i32>} : memref<4000xi32, #tpu.memory_space<vmem>>, vector<16xi32>,
        tpu.vector_store %arg32[%swap3A_281], %add3A_280 {strides = array<i32>} : memref<4000xi32, #tpu.memory_space<vmem>>, vector<16xi32>,
        %get3A_283 = arith.index_cast %mul3A_210 : i32 to index
        %get3A_284 = tpu.vector_load %arg15[%get3A_283] {strides = array<i32>} : memref<4000xf32, #tpu.memory_space<vmem>>, vector<16xf32>,
        %mul3A_285 = arith.mulf %mul3A_266, %get3A_284 : vector<16xf32>
        %swap3A_286 = arith.index_cast %mul3A_210 : i32 to index
        %swap3A_287 = tpu.vector_load %arg27[%swap3A_286] {strides = array<i32>} : memref<4000xf32, #tpu.memory_space<vmem>>, vector<16xf32>,
        tpu.vector_store %arg27[%swap3A_286], %mul3A_285 {strides = array<i32>} : memref<4000xf32, #tpu.memory_space<vmem>>, vector<16xf32>,
        %get3A_288 = arith.index_cast %mul3A_210 : i32 to index
        %get3A_289 = tpu.vector_load %arg16[%get3A_288] {strides = array<i32>} : memref<4000xf32, #tpu.memory_space<vmem>>, vector<16xf32>,
        %mul3A_290 = arith.mulf %mul3A_266, %get3A_289 : vector<16xf32>
        %swap3A_291 = arith.index_cast %mul3A_210 : i32 to index
        %swap3A_292 = tpu.vector_load %arg28[%swap3A_291] {strides = array<i32>} : memref<4000xf32, #tpu.memory_space<vmem>>, vector<16xf32>,
        tpu.vector_store %arg28[%swap3A_291], %mul3A_290 {strides = array<i32>} : memref<4000xf32, #tpu.memory_space<vmem>>, vector<16xf32>,
        %get3A_293 = arith.index_cast %mul3A_210 : i32 to index
        %get3A_294 = tpu.vector_load %arg17[%get3A_293] {strides = array<i32>} : memref<4000xf32, #tpu.memory_space<vmem>>, vector<16xf32>,
        %mul3A_295 = arith.mulf %mul3A_266, %get3A_294 : vector<16xf32>
        %swap3A_296 = arith.index_cast %mul3A_210 : i32 to index
        %swap3A_297 = tpu.vector_load %arg29[%swap3A_296] {strides = array<i32>} : memref<4000xf32, #tpu.memory_space<vmem>>, vector<16xf32>,
        tpu.vector_store %arg29[%swap3A_296], %mul3A_295 {strides = array<i32>} : memref<4000xf32, #tpu.memory_space<vmem>>, vector<16xf32>,
      }
      %scan3A_116 = arith.constant 250 : i32
      %dma_start3A_117 = arith.constant 0 : i32
      %dma_start3A_118 = tpu.memref_slice %arg35[%dma_start3A_117] : memref<300000xf32, #tpu.memory_space<vmem_shared>> -> memref<300000xf32, #tpu.memory_space<vmem_shared>>
      tpu.enqueue_indirect_dma source(%arg27 : memref<4000xf32, #tpu.memory_space<vmem>>) target(%dma_start3A_118 : memref<300000xf32, #tpu.memory_space<vmem_shared>>) offsets(%arg30 : memref<4000xi32, #tpu.memory_space<vmem>>) semaphore(%arg39 : memref<!tpu.dma_semaphore, #tpu.memory_space<semaphore_mem>>) {add = true}
      %dma_start3A_119 = arith.constant 0 : i32
      %dma_start3A_120 = tpu.memref_slice %arg35[%dma_start3A_119] : memref<300000xf32, #tpu.memory_space<vmem_shared>> -> memref<300000xf32, #tpu.memory_space<vmem_shared>>
      tpu.enqueue_indirect_dma source(%arg28 : memref<4000xf32, #tpu.memory_space<vmem>>) target(%dma_start3A_120 : memref<300000xf32, #tpu.memory_space<vmem_shared>>) offsets(%arg31 : memref<4000xi32, #tpu.memory_space<vmem>>) semaphore(%arg39 : memref<!tpu.dma_semaphore, #tpu.memory_space<semaphore_mem>>) {add = true}
      %dma_start3A_121 = arith.constant 0 : i32
      %dma_start3A_122 = tpu.memref_slice %arg35[%dma_start3A_121] : memref<300000xf32, #tpu.memory_space<vmem_shared>> -> memref<300000xf32, #tpu.memory_space<vmem_shared>>
      tpu.enqueue_indirect_dma source(%arg29 : memref<4000xf32, #tpu.memory_space<vmem>>) target(%dma_start3A_122 : memref<300000xf32, #tpu.memory_space<vmem_shared>>) offsets(%arg32 : memref<4000xi32, #tpu.memory_space<vmem>>) semaphore(%arg39 : memref<!tpu.dma_semaphore, #tpu.memory_space<semaphore_mem>>) {add = true}
      %dma_wait3A_123 = arith.constant 0 : i32
      %dma_wait3A_124 = tpu.memref_slice %arg35[%dma_wait3A_123] : memref<300000xf32, #tpu.memory_space<vmem_shared>> -> memref<300000xf32, #tpu.memory_space<vmem_shared>>
      tpu.wait_indirect_dma semaphore(%arg39 : memref<!tpu.dma_semaphore, #tpu.memory_space<semaphore_mem>>) src(%arg27 : memref<4000xf32, #tpu.memory_space<vmem>>) dst(%dma_wait3A_124 : memref<300000xf32, #tpu.memory_space<vmem_shared>>)
      %dma_wait3A_125 = arith.constant 0 : i32
      %dma_wait3A_126 = tpu.memref_slice %arg35[%dma_wait3A_125] : memref<300000xf32, #tpu.memory_space<vmem_shared>> -> memref<300000xf32, #tpu.memory_space<vmem_shared>>
      tpu.wait_indirect_dma semaphore(%arg39 : memref<!tpu.dma_semaphore, #tpu.memory_space<semaphore_mem>>) src(%arg28 : memref<4000xf32, #tpu.memory_space<vmem>>) dst(%dma_wait3A_126 : memref<300000xf32, #tpu.memory_space<vmem_shared>>)
      %dma_wait3A_127 = arith.constant 0 : i32
      %dma_wait3A_128 = tpu.memref_slice %arg35[%dma_wait3A_127] : memref<300000xf32, #tpu.memory_space<vmem_shared>> -> memref<300000xf32, #tpu.memory_space<vmem_shared>>
      tpu.wait_indirect_dma semaphore(%arg39 : memref<!tpu.dma_semaphore, #tpu.memory_space<semaphore_mem>>) src(%arg29 : memref<4000xf32, #tpu.memory_space<vmem>>) dst(%dma_wait3A_128 : memref<300000xf32, #tpu.memory_space<vmem_shared>>)
      %mul3A_129 = arith.constant 2 : i32
      %mul3A_130 = arith.muli %mul3A_129, %scan3A_52 : i32
      %add3A_131 = arith.constant 1 : i32
      %add3A_132 = arith.addi %mul3A_130, %add3A_131 : i32
      %dma_wait3A_133 = arith.constant 0 : i32
      %dma_wait3A_134 = tpu.memref_slice %arg2[%dma_wait3A_133] : memref<6400000xi32, #tpu.memory_space<hbm>> -> memref<4000xi32, #tpu.memory_space<hbm>>
      %dma_wait3A_135 = arith.constant 0 : i32
      %dma_wait3A_136 = tpu.memref_slice %arg2[%dma_wait3A_135] : memref<6400000xi32, #tpu.memory_space<hbm>> -> memref<4000xi32, #tpu.memory_space<hbm>>
      tpu.wait_dma2 semaphore(%arg37 : memref<!tpu.dma_semaphore, #tpu.memory_space<semaphore_mem>>) src(%dma_wait3A_136 : memref<4000xi32, #tpu.memory_space<hbm>>) dst(%arg18 : memref<4000xi32, #tpu.memory_space<vmem>>)
      %dma_wait3A_137 = arith.constant 0 : i32
      %dma_wait3A_138 = tpu.memref_slice %arg3[%dma_wait3A_137] : memref<6400000xi32, #tpu.memory_space<hbm>> -> memref<4000xi32, #tpu.memory_space<hbm>>
      %dma_wait3A_139 = arith.constant 0 : i32
      %dma_wait3A_140 = tpu.memref_slice %arg3[%dma_wait3A_139] : memref<6400000xi32, #tpu.memory_space<hbm>> -> memref<4000xi32, #tpu.memory_space<hbm>>
      tpu.wait_dma2 semaphore(%arg37 : memref<!tpu.dma_semaphore, #tpu.memory_space<semaphore_mem>>) src(%dma_wait3A_140 : memref<4000xi32, #tpu.memory_space<hbm>>) dst(%arg19 : memref<4000xi32, #tpu.memory_space<vmem>>)
      %dma_wait3A_141 = arith.constant 0 : i32
      %dma_wait3A_142 = tpu.memref_slice %arg4[%dma_wait3A_141] : memref<6400000xf32, #tpu.memory_space<hbm>> -> memref<4000xf32, #tpu.memory_space<hbm>>
      %dma_wait3A_143 = arith.constant 0 : i32
      %dma_wait3A_144 = tpu.memref_slice %arg4[%dma_wait3A_143] : memref<6400000xf32, #tpu.memory_space<hbm>> -> memref<4000xf32, #tpu.memory_space<hbm>>
      tpu.wait_dma2 semaphore(%arg37 : memref<!tpu.dma_semaphore, #tpu.memory_space<semaphore_mem>>) src(%dma_wait3A_144 : memref<4000xf32, #tpu.memory_space<hbm>>) dst(%arg20 : memref<4000xf32, #tpu.memory_space<vmem>>)
      %dma_wait3A_145 = arith.constant 0 : i32
      %dma_wait3A_146 = tpu.memref_slice %arg5[%dma_wait3A_145] : memref<6400000xf32, #tpu.memory_space<hbm>> -> memref<4000xf32, #tpu.memory_space<hbm>>
      %dma_wait3A_147 = arith.constant 0 : i32
      %dma_wait3A_148 = tpu.memref_slice %arg5[%dma_wait3A_147] : memref<6400000xf32, #tpu.memory_space<hbm>> -> memref<4000xf32, #tpu.memory_space<hbm>>
      tpu.wait_dma2 semaphore(%arg37 : memref<!tpu.dma_semaphore, #tpu.memory_space<semaphore_mem>>) src(%dma_wait3A_148 : memref<4000xf32, #tpu.memory_space<hbm>>) dst(%arg21 : memref<4000xf32, #tpu.memory_space<vmem>>)
      %dma_wait3A_149 = arith.constant 0 : i32
      %dma_wait3A_150 = tpu.memref_slice %arg6[%dma_wait3A_149] : memref<6400000xf32, #tpu.memory_space<hbm>> -> memref<4000xf32, #tpu.memory_space<hbm>>
      %dma_wait3A_151 = arith.constant 0 : i32
      %dma_wait3A_152 = tpu.memref_slice %arg6[%dma_wait3A_151] : memref<6400000xf32, #tpu.memory_space<hbm>> -> memref<4000xf32, #tpu.memory_space<hbm>>
      tpu.wait_dma2 semaphore(%arg37 : memref<!tpu.dma_semaphore, #tpu.memory_space<semaphore_mem>>) src(%dma_wait3A_152 : memref<4000xf32, #tpu.memory_space<hbm>>) dst(%arg22 : memref<4000xf32, #tpu.memory_space<vmem>>)
      %dma_wait3A_153 = arith.constant 0 : i32
      %dma_wait3A_154 = tpu.memref_slice %arg7[%dma_wait3A_153] : memref<6400000xf32, #tpu.memory_space<hbm>> -> memref<4000xf32, #tpu.memory_space<hbm>>
      %dma_wait3A_155 = arith.constant 0 : i32
      %dma_wait3A_156 = tpu.memref_slice %arg7[%dma_wait3A_155] : memref<6400000xf32, #tpu.memory_space<hbm>> -> memref<4000xf32, #tpu.memory_space<hbm>>
      tpu.wait_dma2 semaphore(%arg37 : memref<!tpu.dma_semaphore, #tpu.memory_space<semaphore_mem>>) src(%dma_wait3A_156 : memref<4000xf32, #tpu.memory_space<hbm>>) dst(%arg23 : memref<4000xf32, #tpu.memory_space<vmem>>)
      %dma_start3A_157 = arith.constant 0 : i32
      %dma_start3A_158 = tpu.memref_slice %arg33[%dma_start3A_157] : memref<100000xf32, #tpu.memory_space<vmem_shared>> -> memref<100000xf32, #tpu.memory_space<vmem_shared>>
      tpu.enqueue_indirect_dma source(%dma_start3A_158 : memref<100000xf32, #tpu.memory_space<vmem_shared>>) target(%arg24 : memref<4000xf32, #tpu.memory_space<vmem>>) offsets(%arg19 : memref<4000xi32, #tpu.memory_space<vmem>>) semaphore(%arg38 : memref<!tpu.dma_semaphore, #tpu.memory_space<semaphore_mem>>)
      %dma_start3A_159 = arith.constant 0 : i32
      %dma_start3A_160 = tpu.memref_slice %arg34[%dma_start3A_159] : memref<100000xf32, #tpu.memory_space<vmem_shared>> -> memref<100000xf32, #tpu.memory_space<vmem_shared>>
      tpu.enqueue_indirect_dma source(%dma_start3A_160 : memref<100000xf32, #tpu.memory_space<vmem_shared>>) target(%arg25 : memref<4000xf32, #tpu.memory_space<vmem>>) offsets(%arg18 : memref<4000xi32, #tpu.memory_space<vmem>>) semaphore(%arg38 : memref<!tpu.dma_semaphore, #tpu.memory_space<semaphore_mem>>)
      %dma_start3A_161 = arith.constant 0 : i32
      %dma_start3A_162 = tpu.memref_slice %arg34[%dma_start3A_161] : memref<100000xf32, #tpu.memory_space<vmem_shared>> -> memref<100000xf32, #tpu.memory_space<vmem_shared>>
      tpu.enqueue_indirect_dma source(%dma_start3A_162 : memref<100000xf32, #tpu.memory_space<vmem_shared>>) target(%arg26 : memref<4000xf32, #tpu.memory_space<vmem>>) offsets(%arg19 : memref<4000xi32, #tpu.memory_space<vmem>>) semaphore(%arg38 : memref<!tpu.dma_semaphore, #tpu.memory_space<semaphore_mem>>)
      %add3A_163 = arith.constant 1 : i32
      %add3A_164 = arith.addi %add3A_132, %add3A_163 : i32
      %min3A_165 = arith.constant 49 : i32
      %min3A_166 = arith.minsi %add3A_164, %min3A_165 : i32
      %mul3A_167 = arith.constant 200000 : i32
      %mul3A_168 = arith.muli %add3A, %mul3A_167 : i32
      %mul3A_169 = arith.constant 4000 : i32
      %mul3A_170 = arith.muli %min3A_166, %mul3A_169 : i32
      %add3A_171 = arith.addi %mul3A_168, %mul3A_170 : i32
      %dma_start3A_172 = tpu.memref_slice %arg2[%add3A_171] : memref<6400000xi32, #tpu.memory_space<hbm>> -> memref<4000xi32, #tpu.memory_space<hbm>>
      %dma_start3A_173 = tpu.memref_slice %arg2[%add3A_171] : memref<6400000xi32, #tpu.memory_space<hbm>> -> memref<4000xi32, #tpu.memory_space<hbm>>
      tpu.enqueue_dma source(%dma_start3A_173 : memref<4000xi32, #tpu.memory_space<hbm>>) target(%arg12 : memref<4000xi32, #tpu.memory_space<vmem>>) target_semaphore(%arg36 : memref<!tpu.dma_semaphore, #tpu.memory_space<semaphore_mem>>)
      %dma_start3A_174 = tpu.memref_slice %arg3[%add3A_171] : memref<6400000xi32, #tpu.memory_space<hbm>> -> memref<4000xi32, #tpu.memory_space<hbm>>
      %dma_start3A_175 = tpu.memref_slice %arg3[%add3A_171] : memref<6400000xi32, #tpu.memory_space<hbm>> -> memref<4000xi32, #tpu.memory_space<hbm>>
      tpu.enqueue_dma source(%dma_start3A_175 : memref<4000xi32, #tpu.memory_space<hbm>>) target(%arg13 : memref<4000xi32, #tpu.memory_space<vmem>>) target_semaphore(%arg36 : memref<!tpu.dma_semaphore, #tpu.memory_space<semaphore_mem>>)
      %dma_start3A_176 = tpu.memref_slice %arg4[%add3A_171] : memref<6400000xf32, #tpu.memory_space<hbm>> -> memref<4000xf32, #tpu.memory_space<hbm>>
      %dma_start3A_177 = tpu.memref_slice %arg4[%add3A_171] : memref<6400000xf32, #tpu.memory_space<hbm>> -> memref<4000xf32, #tpu.memory_space<hbm>>
      tpu.enqueue_dma source(%dma_start3A_177 : memref<4000xf32, #tpu.memory_space<hbm>>) target(%arg14 : memref<4000xf32, #tpu.memory_space<vmem>>) target_semaphore(%arg36 : memref<!tpu.dma_semaphore, #tpu.memory_space<semaphore_mem>>)
      %dma_start3A_178 = tpu.memref_slice %arg5[%add3A_171] : memref<6400000xf32, #tpu.memory_space<hbm>> -> memref<4000xf32, #tpu.memory_space<hbm>>
      %dma_start3A_179 = tpu.memref_slice %arg5[%add3A_171] : memref<6400000xf32, #tpu.memory_space<hbm>> -> memref<4000xf32, #tpu.memory_space<hbm>>
      tpu.enqueue_dma source(%dma_start3A_179 : memref<4000xf32, #tpu.memory_space<hbm>>) target(%arg15 : memref<4000xf32, #tpu.memory_space<vmem>>) target_semaphore(%arg36 : memref<!tpu.dma_semaphore, #tpu.memory_space<semaphore_mem>>)
      %dma_start3A_180 = tpu.memref_slice %arg6[%add3A_171] : memref<6400000xf32, #tpu.memory_space<hbm>> -> memref<4000xf32, #tpu.memory_space<hbm>>
      %dma_start3A_181 = tpu.memref_slice %arg6[%add3A_171] : memref<6400000xf32, #tpu.memory_space<hbm>> -> memref<4000xf32, #tpu.memory_space<hbm>>
      tpu.enqueue_dma source(%dma_start3A_181 : memref<4000xf32, #tpu.memory_space<hbm>>) target(%arg16 : memref<4000xf32, #tpu.memory_space<vmem>>) target_semaphore(%arg36 : memref<!tpu.dma_semaphore, #tpu.memory_space<semaphore_mem>>)
      %dma_start3A_182 = tpu.memref_slice %arg7[%add3A_171] : memref<6400000xf32, #tpu.memory_space<hbm>> -> memref<4000xf32, #tpu.memory_space<hbm>>
      %dma_start3A_183 = tpu.memref_slice %arg7[%add3A_171] : memref<6400000xf32, #tpu.memory_space<hbm>> -> memref<4000xf32, #tpu.memory_space<hbm>>
      tpu.enqueue_dma source(%dma_start3A_183 : memref<4000xf32, #tpu.memory_space<hbm>>) target(%arg17 : memref<4000xf32, #tpu.memory_space<vmem>>) target_semaphore(%arg36 : memref<!tpu.dma_semaphore, #tpu.memory_space<semaphore_mem>>)
      %dma_wait3A_184 = arith.constant 0 : i32
      %dma_wait3A_185 = tpu.memref_slice %arg33[%dma_wait3A_184] : memref<100000xf32, #tpu.memory_space<vmem_shared>> -> memref<100000xf32, #tpu.memory_space<vmem_shared>>
      tpu.wait_indirect_dma semaphore(%arg38 : memref<!tpu.dma_semaphore, #tpu.memory_space<semaphore_mem>>) src(%dma_wait3A_185 : memref<100000xf32, #tpu.memory_space<vmem_shared>>) dst(%arg24 : memref<4000xf32, #tpu.memory_space<vmem>>)
      %dma_wait3A_186 = arith.constant 0 : i32
      %dma_wait3A_187 = tpu.memref_slice %arg34[%dma_wait3A_186] : memref<100000xf32, #tpu.memory_space<vmem_shared>> -> memref<100000xf32, #tpu.memory_space<vmem_shared>>
      tpu.wait_indirect_dma semaphore(%arg38 : memref<!tpu.dma_semaphore, #tpu.memory_space<semaphore_mem>>) src(%dma_wait3A_187 : memref<100000xf32, #tpu.memory_space<vmem_shared>>) dst(%arg25 : memref<4000xf32, #tpu.memory_space<vmem>>)
      %dma_wait3A_188 = arith.constant 0 : i32
      %dma_wait3A_189 = tpu.memref_slice %arg34[%dma_wait3A_188] : memref<100000xf32, #tpu.memory_space<vmem_shared>> -> memref<100000xf32, #tpu.memory_space<vmem_shared>>
      tpu.wait_indirect_dma semaphore(%arg38 : memref<!tpu.dma_semaphore, #tpu.memory_space<semaphore_mem>>) src(%dma_wait3A_189 : memref<100000xf32, #tpu.memory_space<vmem_shared>>) dst(%arg26 : memref<4000xf32, #tpu.memory_space<vmem>>)
      %scan3A_190 = arith.constant 0 : i32
      %scan3A_191 = arith.constant 0 : i32
      %scan3A_192 = arith.constant 250 : i32
      %scan3A_193 = arith.addi %scan3A_191, %scan3A_192 : i32
      %scan3A_194 = arith.constant 1 : i32
      scf.for %scan3A_208 = %scan3A_191 to %scan3A_193 step %scan3A_194  : i32 {
        %mul3A_209 = arith.constant 16 : i32
        %mul3A_210 = arith.muli %scan3A_208, %mul3A_209 : i32
        %get3A = arith.index_cast %mul3A_210 : i32 to index
        %get3A_211 = tpu.vector_load %arg20[%get3A] {strides = array<i32>} : memref<4000xf32, #tpu.memory_space<vmem>>, vector<16xf32>,
        %bitcast_convert_type3A = tpu.bitcast %get3A_211 : vector<16xf32> -> vector<16xi32>
        %shift_right_arithmetic3A = arith.constant 1 : i32
        %shift_right_arithmetic3A_212 = vector.broadcast %shift_right_arithmetic3A : i32 to vector<16xi32>
        %shift_right_arithmetic3A_213 = arith.shrsi %bitcast_convert_type3A, %shift_right_arithmetic3A_212 : vector<16xi32>
        %sub3A = arith.constant 1597463007 : i32
        %sub3A_214 = vector.broadcast %sub3A : i32 to vector<16xi32>
        %sub3A_215 = arith.subi %sub3A_214, %shift_right_arithmetic3A_213 : vector<16xi32>
        %bitcast_convert_type3A_216 = tpu.bitcast %sub3A_215 : vector<16xi32> -> vector<16xf32>
        %mul3A_217 = arith.constant 5.000000e-01 : f32
        %mul3A_218 = vector.broadcast %mul3A_217 : f32 to vector<16xf32>
        %mul3A_219 = arith.mulf %mul3A_218, %get3A_211 : vector<16xf32>
        %mul3A_220 = arith.mulf %mul3A_219, %bitcast_convert_type3A_216 : vector<16xf32>
        %mul3A_221 = arith.mulf %mul3A_220, %bitcast_convert_type3A_216 : vector<16xf32>
        %sub3A_222 = arith.constant 1.500000e+00 : f32
        %sub3A_223 = vector.broadcast %sub3A_222 : f32 to vector<16xf32>
        %sub3A_224 = arith.subf %sub3A_223, %mul3A_221 : vector<16xf32>
        %mul3A_225 = arith.mulf %bitcast_convert_type3A_216, %sub3A_224 : vector<16xf32>
        %mul3A_226 = arith.constant 5.000000e-01 : f32
        %mul3A_227 = vector.broadcast %mul3A_226 : f32 to vector<16xf32>
        %mul3A_228 = arith.mulf %mul3A_227, %get3A_211 : vector<16xf32>
        %mul3A_229 = arith.mulf %mul3A_228, %mul3A_225 : vector<16xf32>
        %mul3A_230 = arith.mulf %mul3A_229, %mul3A_225 : vector<16xf32>
        %sub3A_231 = arith.constant 1.500000e+00 : f32
        %sub3A_232 = vector.broadcast %sub3A_231 : f32 to vector<16xf32>
        %sub3A_233 = arith.subf %sub3A_232, %mul3A_230 : vector<16xf32>
        %mul3A_234 = arith.mulf %mul3A_225, %sub3A_233 : vector<16xf32>
        %mul3A_235 = arith.constant 5.000000e-01 : f32
        %mul3A_236 = vector.broadcast %mul3A_235 : f32 to vector<16xf32>
        %mul3A_237 = arith.mulf %mul3A_236, %get3A_211 : vector<16xf32>
        %mul3A_238 = arith.mulf %mul3A_237, %mul3A_234 : vector<16xf32>
        %mul3A_239 = arith.mulf %mul3A_238, %mul3A_234 : vector<16xf32>
        %sub3A_240 = arith.constant 1.500000e+00 : f32
        %sub3A_241 = vector.broadcast %sub3A_240 : f32 to vector<16xf32>
        %sub3A_242 = arith.subf %sub3A_241, %mul3A_239 : vector<16xf32>
        %mul3A_243 = arith.mulf %mul3A_234, %sub3A_242 : vector<16xf32>
        %mul3A_244 = arith.mulf %get3A_211, %get3A_211 : vector<16xf32>
        %mul3A_245 = arith.mulf %mul3A_244, %mul3A_243 : vector<16xf32>
        %get3A_246 = arith.index_cast %mul3A_210 : i32 to index
        %get3A_247 = tpu.vector_load %arg25[%get3A_246] {strides = array<i32>} : memref<4000xf32, #tpu.memory_space<vmem>>, vector<16xf32>,
        %mul3A_248 = arith.mulf %mul3A_245, %get3A_247 : vector<16xf32>
        %get3A_249 = arith.index_cast %mul3A_210 : i32 to index
        %get3A_250 = tpu.vector_load %arg26[%get3A_249] {strides = array<i32>} : memref<4000xf32, #tpu.memory_space<vmem>>, vector<16xf32>,
        %mul3A_251 = arith.mulf %mul3A_248, %get3A_250 : vector<16xf32>
        %mul3A_252 = arith.constant -0.699999988 : f32
        %mul3A_253 = vector.broadcast %mul3A_252 : f32 to vector<16xf32>
        %mul3A_254 = arith.mulf %mul3A_253, %mul3A_251 : vector<16xf32>
        %exp3A = math.exp %mul3A_254 : vector<16xf32>
        %sub3A_255 = arith.constant 1.000000e+00 : f32
        %sub3A_256 = vector.broadcast %sub3A_255 : f32 to vector<16xf32>
        %sub3A_257 = arith.subf %sub3A_256, %exp3A : vector<16xf32>
        %mul3A_258 = arith.mulf %mul3A_243, %mul3A_243 : vector<16xf32>
        %mul3A_259 = arith.mulf %mul3A_258, %mul3A_258 : vector<16xf32>
        %mul3A_260 = arith.mulf %mul3A_259, %mul3A_258 : vector<16xf32>
        %get3A_261 = arith.index_cast %mul3A_210 : i32 to index
        %get3A_262 = tpu.vector_load %arg24[%get3A_261] {strides = array<i32>} : memref<4000xf32, #tpu.memory_space<vmem>>, vector<16xf32>,
        %mul3A_263 = arith.mulf %get3A_262, %sub3A_257 : vector<16xf32>
        %neg3A = arith.constant 0.000000e+00 : f32
        %neg3A_264 = vector.broadcast %neg3A : f32 to vector<16xf32>
        %neg3A_265 = arith.subf %neg3A_264, %mul3A_263 : vector<16xf32>
        %mul3A_266 = arith.mulf %neg3A_265, %mul3A_260 : vector<16xf32>
        %get3A_267 = arith.index_cast %mul3A_210 : i32 to index
        %get3A_268 = tpu.vector_load %arg18[%get3A_267] {strides = array<i32>} : memref<4000xi32, #tpu.memory_space<vmem>>, vector<16xi32>,
        %mul3A_269 = arith.constant 3 : i32
        %mul3A_270 = vector.broadcast %mul3A_269 : i32 to vector<16xi32>
        %mul3A_271 = arith.muli %get3A_268, %mul3A_270 : vector<16xi32>
        %swap3A = arith.index_cast %mul3A_210 : i32 to index
        %swap3A_272 = tpu.vector_load %arg30[%swap3A] {strides = array<i32>} : memref<4000xi32, #tpu.memory_space<vmem>>, vector<16xi32>,
        tpu.vector_store %arg30[%swap3A], %mul3A_271 {strides = array<i32>} : memref<4000xi32, #tpu.memory_space<vmem>>, vector<16xi32>,
        %add3A_273 = arith.constant 1 : i32
        %add3A_274 = vector.broadcast %add3A_273 : i32 to vector<16xi32>
        %add3A_275 = arith.addi %mul3A_271, %add3A_274 : vector<16xi32>
        %swap3A_276 = arith.index_cast %mul3A_210 : i32 to index
        %swap3A_277 = tpu.vector_load %arg31[%swap3A_276] {strides = array<i32>} : memref<4000xi32, #tpu.memory_space<vmem>>, vector<16xi32>,
        tpu.vector_store %arg31[%swap3A_276], %add3A_275 {strides = array<i32>} : memref<4000xi32, #tpu.memory_space<vmem>>, vector<16xi32>,
        %add3A_278 = arith.constant 2 : i32
        %add3A_279 = vector.broadcast %add3A_278 : i32 to vector<16xi32>
        %add3A_280 = arith.addi %mul3A_271, %add3A_279 : vector<16xi32>
        %swap3A_281 = arith.index_cast %mul3A_210 : i32 to index
        %swap3A_282 = tpu.vector_load %arg32[%swap3A_281] {strides = array<i32>} : memref<4000xi32, #tpu.memory_space<vmem>>, vector<16xi32>,
        tpu.vector_store %arg32[%swap3A_281], %add3A_280 {strides = array<i32>} : memref<4000xi32, #tpu.memory_space<vmem>>, vector<16xi32>,
        %get3A_283 = arith.index_cast %mul3A_210 : i32 to index
        %get3A_284 = tpu.vector_load %arg21[%get3A_283] {strides = array<i32>} : memref<4000xf32, #tpu.memory_space<vmem>>, vector<16xf32>,
        %mul3A_285 = arith.mulf %mul3A_266, %get3A_284 : vector<16xf32>
        %swap3A_286 = arith.index_cast %mul3A_210 : i32 to index
        %swap3A_287 = tpu.vector_load %arg27[%swap3A_286] {strides = array<i32>} : memref<4000xf32, #tpu.memory_space<vmem>>, vector<16xf32>,
        tpu.vector_store %arg27[%swap3A_286], %mul3A_285 {strides = array<i32>} : memref<4000xf32, #tpu.memory_space<vmem>>, vector<16xf32>,
        %get3A_288 = arith.index_cast %mul3A_210 : i32 to index
        %get3A_289 = tpu.vector_load %arg22[%get3A_288] {strides = array<i32>} : memref<4000xf32, #tpu.memory_space<vmem>>, vector<16xf32>,
        %mul3A_290 = arith.mulf %mul3A_266, %get3A_289 : vector<16xf32>
        %swap3A_291 = arith.index_cast %mul3A_210 : i32 to index
        %swap3A_292 = tpu.vector_load %arg28[%swap3A_291] {strides = array<i32>} : memref<4000xf32, #tpu.memory_space<vmem>>, vector<16xf32>,
        tpu.vector_store %arg28[%swap3A_291], %mul3A_290 {strides = array<i32>} : memref<4000xf32, #tpu.memory_space<vmem>>, vector<16xf32>,
        %get3A_293 = arith.index_cast %mul3A_210 : i32 to index
        %get3A_294 = tpu.vector_load %arg23[%get3A_293] {strides = array<i32>} : memref<4000xf32, #tpu.memory_space<vmem>>, vector<16xf32>,
        %mul3A_295 = arith.mulf %mul3A_266, %get3A_294 : vector<16xf32>
        %swap3A_296 = arith.index_cast %mul3A_210 : i32 to index
        %swap3A_297 = tpu.vector_load %arg29[%swap3A_296] {strides = array<i32>} : memref<4000xf32, #tpu.memory_space<vmem>>, vector<16xf32>,
        tpu.vector_store %arg29[%swap3A_296], %mul3A_295 {strides = array<i32>} : memref<4000xf32, #tpu.memory_space<vmem>>, vector<16xf32>,
      }
      %scan3A_195 = arith.constant 250 : i32
      %dma_start3A_196 = arith.constant 0 : i32
      %dma_start3A_197 = tpu.memref_slice %arg35[%dma_start3A_196] : memref<300000xf32, #tpu.memory_space<vmem_shared>> -> memref<300000xf32, #tpu.memory_space<vmem_shared>>
      tpu.enqueue_indirect_dma source(%arg27 : memref<4000xf32, #tpu.memory_space<vmem>>) target(%dma_start3A_197 : memref<300000xf32, #tpu.memory_space<vmem_shared>>) offsets(%arg30 : memref<4000xi32, #tpu.memory_space<vmem>>) semaphore(%arg39 : memref<!tpu.dma_semaphore, #tpu.memory_space<semaphore_mem>>) {add = true}
      %dma_start3A_198 = arith.constant 0 : i32
      %dma_start3A_199 = tpu.memref_slice %arg35[%dma_start3A_198] : memref<300000xf32, #tpu.memory_space<vmem_shared>> -> memref<300000xf32, #tpu.memory_space<vmem_shared>>
      tpu.enqueue_indirect_dma source(%arg28 : memref<4000xf32, #tpu.memory_space<vmem>>) target(%dma_start3A_199 : memref<300000xf32, #tpu.memory_space<vmem_shared>>) offsets(%arg31 : memref<4000xi32, #tpu.memory_space<vmem>>) semaphore(%arg39 : memref<!tpu.dma_semaphore, #tpu.memory_space<semaphore_mem>>) {add = true}
      %dma_start3A_200 = arith.constant 0 : i32
      %dma_start3A_201 = tpu.memref_slice %arg35[%dma_start3A_200] : memref<300000xf32, #tpu.memory_space<vmem_shared>> -> memref<300000xf32, #tpu.memory_space<vmem_shared>>
      tpu.enqueue_indirect_dma source(%arg29 : memref<4000xf32, #tpu.memory_space<vmem>>) target(%dma_start3A_201 : memref<300000xf32, #tpu.memory_space<vmem_shared>>) offsets(%arg32 : memref<4000xi32, #tpu.memory_space<vmem>>) semaphore(%arg39 : memref<!tpu.dma_semaphore, #tpu.memory_space<semaphore_mem>>) {add = true}
      %dma_wait3A_202 = arith.constant 0 : i32
      %dma_wait3A_203 = tpu.memref_slice %arg35[%dma_wait3A_202] : memref<300000xf32, #tpu.memory_space<vmem_shared>> -> memref<300000xf32, #tpu.memory_space<vmem_shared>>
      tpu.wait_indirect_dma semaphore(%arg39 : memref<!tpu.dma_semaphore, #tpu.memory_space<semaphore_mem>>) src(%arg27 : memref<4000xf32, #tpu.memory_space<vmem>>) dst(%dma_wait3A_203 : memref<300000xf32, #tpu.memory_space<vmem_shared>>)
      %dma_wait3A_204 = arith.constant 0 : i32
      %dma_wait3A_205 = tpu.memref_slice %arg35[%dma_wait3A_204] : memref<300000xf32, #tpu.memory_space<vmem_shared>> -> memref<300000xf32, #tpu.memory_space<vmem_shared>>
      tpu.wait_indirect_dma semaphore(%arg39 : memref<!tpu.dma_semaphore, #tpu.memory_space<semaphore_mem>>) src(%arg28 : memref<4000xf32, #tpu.memory_space<vmem>>) dst(%dma_wait3A_205 : memref<300000xf32, #tpu.memory_space<vmem_shared>>)
      %dma_wait3A_206 = arith.constant 0 : i32
      %dma_wait3A_207 = tpu.memref_slice %arg35[%dma_wait3A_206] : memref<300000xf32, #tpu.memory_space<vmem_shared>> -> memref<300000xf32, #tpu.memory_space<vmem_shared>>
      tpu.wait_indirect_dma semaphore(%arg39 : memref<!tpu.dma_semaphore, #tpu.memory_space<semaphore_mem>>) src(%arg29 : memref<4000xf32, #tpu.memory_space<vmem>>) dst(%dma_wait3A_207 : memref<300000xf32, #tpu.memory_space<vmem_shared>>)
    }
    %scan3A_22 = arith.constant 25 : i32
    %dma_wait3A = arith.constant 0 : i32
    %dma_wait3A_23 = tpu.memref_slice %arg2[%dma_wait3A] : memref<6400000xi32, #tpu.memory_space<hbm>> -> memref<4000xi32, #tpu.memory_space<hbm>>
    %dma_wait3A_24 = arith.constant 0 : i32
    %dma_wait3A_25 = tpu.memref_slice %arg2[%dma_wait3A_24] : memref<6400000xi32, #tpu.memory_space<hbm>> -> memref<4000xi32, #tpu.memory_space<hbm>>
    tpu.wait_dma2 semaphore(%arg36 : memref<!tpu.dma_semaphore, #tpu.memory_space<semaphore_mem>>) src(%dma_wait3A_25 : memref<4000xi32, #tpu.memory_space<hbm>>) dst(%arg12 : memref<4000xi32, #tpu.memory_space<vmem>>)
    %dma_wait3A_26 = arith.constant 0 : i32
    %dma_wait3A_27 = tpu.memref_slice %arg3[%dma_wait3A_26] : memref<6400000xi32, #tpu.memory_space<hbm>> -> memref<4000xi32, #tpu.memory_space<hbm>>
    %dma_wait3A_28 = arith.constant 0 : i32
    %dma_wait3A_29 = tpu.memref_slice %arg3[%dma_wait3A_28] : memref<6400000xi32, #tpu.memory_space<hbm>> -> memref<4000xi32, #tpu.memory_space<hbm>>
    tpu.wait_dma2 semaphore(%arg36 : memref<!tpu.dma_semaphore, #tpu.memory_space<semaphore_mem>>) src(%dma_wait3A_29 : memref<4000xi32, #tpu.memory_space<hbm>>) dst(%arg13 : memref<4000xi32, #tpu.memory_space<vmem>>)
    %dma_wait3A_30 = arith.constant 0 : i32
    %dma_wait3A_31 = tpu.memref_slice %arg4[%dma_wait3A_30] : memref<6400000xf32, #tpu.memory_space<hbm>> -> memref<4000xf32, #tpu.memory_space<hbm>>
    %dma_wait3A_32 = arith.constant 0 : i32
    %dma_wait3A_33 = tpu.memref_slice %arg4[%dma_wait3A_32] : memref<6400000xf32, #tpu.memory_space<hbm>> -> memref<4000xf32, #tpu.memory_space<hbm>>
    tpu.wait_dma2 semaphore(%arg36 : memref<!tpu.dma_semaphore, #tpu.memory_space<semaphore_mem>>) src(%dma_wait3A_33 : memref<4000xf32, #tpu.memory_space<hbm>>) dst(%arg14 : memref<4000xf32, #tpu.memory_space<vmem>>)
    %dma_wait3A_34 = arith.constant 0 : i32
    %dma_wait3A_35 = tpu.memref_slice %arg5[%dma_wait3A_34] : memref<6400000xf32, #tpu.memory_space<hbm>> -> memref<4000xf32, #tpu.memory_space<hbm>>
    %dma_wait3A_36 = arith.constant 0 : i32
    %dma_wait3A_37 = tpu.memref_slice %arg5[%dma_wait3A_36] : memref<6400000xf32, #tpu.memory_space<hbm>> -> memref<4000xf32, #tpu.memory_space<hbm>>
    tpu.wait_dma2 semaphore(%arg36 : memref<!tpu.dma_semaphore, #tpu.memory_space<semaphore_mem>>) src(%dma_wait3A_37 : memref<4000xf32, #tpu.memory_space<hbm>>) dst(%arg15 : memref<4000xf32, #tpu.memory_space<vmem>>)
    %dma_wait3A_38 = arith.constant 0 : i32
    %dma_wait3A_39 = tpu.memref_slice %arg6[%dma_wait3A_38] : memref<6400000xf32, #tpu.memory_space<hbm>> -> memref<4000xf32, #tpu.memory_space<hbm>>
    %dma_wait3A_40 = arith.constant 0 : i32
    %dma_wait3A_41 = tpu.memref_slice %arg6[%dma_wait3A_40] : memref<6400000xf32, #tpu.memory_space<hbm>> -> memref<4000xf32, #tpu.memory_space<hbm>>
    tpu.wait_dma2 semaphore(%arg36 : memref<!tpu.dma_semaphore, #tpu.memory_space<semaphore_mem>>) src(%dma_wait3A_41 : memref<4000xf32, #tpu.memory_space<hbm>>) dst(%arg16 : memref<4000xf32, #tpu.memory_space<vmem>>)
    %dma_wait3A_42 = arith.constant 0 : i32
    %dma_wait3A_43 = tpu.memref_slice %arg7[%dma_wait3A_42] : memref<6400000xf32, #tpu.memory_space<hbm>> -> memref<4000xf32, #tpu.memory_space<hbm>>
    %dma_wait3A_44 = arith.constant 0 : i32
    %dma_wait3A_45 = tpu.memref_slice %arg7[%dma_wait3A_44] : memref<6400000xf32, #tpu.memory_space<hbm>> -> memref<4000xf32, #tpu.memory_space<hbm>>
    tpu.wait_dma2 semaphore(%arg36 : memref<!tpu.dma_semaphore, #tpu.memory_space<semaphore_mem>>) src(%dma_wait3A_45 : memref<4000xf32, #tpu.memory_space<hbm>>) dst(%arg17 : memref<4000xf32, #tpu.memory_space<vmem>>)
    %barrier3A_46 = arith.constant 0 : index
    tpu.barrier barrier_id(%barrier3A_46)
    %eq3A_47 = arith.constant 0 : i32
    %eq3A_48 = arith.cmpi eq, %arg1, %eq3A_47 : i32
    %convert_element_type3A_49 = arith.extui %eq3A_48 : i1 to i32
    %cond3A_50 = arith.constant 0 : i32
    %cond3A_51 = arith.cmpi ne, %convert_element_type3A_49, %cond3A_50 : i32
    scf.if %cond3A_51 {
      "tpu.region"() ({
        %run_scoped3A = tpu.sem_alloc : memref<!tpu.dma_semaphore, #tpu.memory_space<semaphore_mem>>
        %dma_start3A_52 = arith.constant 0 : i32
        %dma_start3A_53 = tpu.memref_slice %arg11[%arg0, %dma_start3A_52] : memref<2x300000xf32, #tpu.memory_space<hbm>> -> memref<1x300000xf32, #tpu.memory_space<hbm>>
        %dma_start3A_54 = tpu.memref_squeeze %dma_start3A_53 : memref<1x300000xf32, #tpu.memory_space<hbm>> -> memref<300000xf32, #tpu.memory_space<hbm>>
        tpu.enqueue_dma source(%arg35 : memref<300000xf32, #tpu.memory_space<vmem_shared>>) target(%dma_start3A_54 : memref<300000xf32, #tpu.memory_space<hbm>>) target_semaphore(%run_scoped3A : memref<!tpu.dma_semaphore, #tpu.memory_space<semaphore_mem>>)
        %dma_wait3A_55 = arith.constant 0 : i32
        %dma_wait3A_56 = tpu.memref_slice %arg11[%arg0, %dma_wait3A_55] : memref<2x300000xf32, #tpu.memory_space<hbm>> -> memref<1x300000xf32, #tpu.memory_space<hbm>>
        %dma_wait3A_57 = tpu.memref_squeeze %dma_wait3A_56 : memref<1x300000xf32, #tpu.memory_space<hbm>> -> memref<300000xf32, #tpu.memory_space<hbm>>
        tpu.wait_dma2 semaphore(%run_scoped3A : memref<!tpu.dma_semaphore, #tpu.memory_space<semaphore_mem>>) src(%arg35 : memref<300000xf32, #tpu.memory_space<vmem_shared>>) dst(%dma_wait3A_57 : memref<300000xf32, #tpu.memory_space<hbm>>)
        tpu.yield
      }) : () -> ()
    } else {
    }
    return
  }
}

module attributes {stable_mosaic.version = 14 : i64} {
  func.func @_prep_body(%arg0: memref<100x8x128xf32, #tpu.memory_space<vmem>>, %arg1: memref<100x8x128xf32, #tpu.memory_space<vmem>>) attributes {dimension_semantics = [], scalar_prefetch = 0 : i64, scratch_operands = 0 : i64, tpu.core_type = #tpu.core_type<tc>} {
    %get3A = arith.constant 0 : index
    %get3A_0 = arith.constant 0 : index
    %get3A_1 = arith.constant 0 : index
    %get3A_2 = vector.load %arg0[%get3A, %get3A_0, %get3A_1] : memref<100x8x128xf32, #tpu.memory_space<vmem>>, vector<100x8x128xf32>
    %sqrt3A = math.sqrt %get3A_2 : vector<100x8x128xf32>
    %rsqrt3A = math.rsqrt %sqrt3A : vector<100x8x128xf32>
    %swap3A = arith.constant 0 : index
    %swap3A_3 = arith.constant 0 : index
    %swap3A_4 = arith.constant 0 : index
    %swap3A_5 = vector.load %arg1[%swap3A, %swap3A_3, %swap3A_4] : memref<100x8x128xf32, #tpu.memory_space<vmem>>, vector<100x8x128xf32>
    tpu.vector_store %arg1[%swap3A, %swap3A_3, %swap3A_4], %rsqrt3A {strides = array<i32>} : memref<100x8x128xf32, #tpu.memory_space<vmem>>, vector<100x8x128xf32>,
    return
  }
}

module attributes {stable_mosaic.version = 14 : i64} {
  func.func @_combine_body(%arg0: memref<2x293x8x128xf32, #tpu.memory_space<vmem>>, %arg1: memref<293x8x128xf32, #tpu.memory_space<vmem>>) attributes {dimension_semantics = [], scalar_prefetch = 0 : i64, scratch_operands = 0 : i64, tpu.core_type = #tpu.core_type<tc>} {
    %get3A = arith.constant 0 : index
    %get3A_0 = arith.constant 0 : index
    %get3A_1 = arith.constant 0 : index
    %get3A_2 = arith.constant 0 : index
    %get3A_3 = vector.load %arg0[%get3A, %get3A_0, %get3A_1, %get3A_2] : memref<2x293x8x128xf32, #tpu.memory_space<vmem>>, vector<1x293x8x128xf32>
    %get3A_4 = vector.shape_cast %get3A_3 : vector<1x293x8x128xf32> to vector<293x8x128xf32>
    %get3A_5 = arith.constant 1 : index
    %get3A_6 = arith.constant 0 : index
    %get3A_7 = arith.constant 0 : index
    %get3A_8 = arith.constant 0 : index
    %get3A_9 = vector.load %arg0[%get3A_5, %get3A_6, %get3A_7, %get3A_8] : memref<2x293x8x128xf32, #tpu.memory_space<vmem>>, vector<1x293x8x128xf32>
    %get3A_10 = vector.shape_cast %get3A_9 : vector<1x293x8x128xf32> to vector<293x8x128xf32>
    %add3A = arith.addf %get3A_4, %get3A_10 : vector<293x8x128xf32>
    %swap3A = arith.constant 0 : index
    %swap3A_11 = arith.constant 0 : index
    %swap3A_12 = arith.constant 0 : index
    %swap3A_13 = vector.load %arg1[%swap3A, %swap3A_11, %swap3A_12] : memref<293x8x128xf32, #tpu.memory_space<vmem>>, vector<293x8x128xf32>
    tpu.vector_store %arg1[%swap3A, %swap3A_11, %swap3A_12], %add3A {strides = array<i32>} : memref<293x8x128xf32, #tpu.memory_space<vmem>>, vector<293x8x128xf32>,
    return
  }
}

</mosaic_0001>

<sc_bundles>
// kernel: kernel.5.cloned.1.call-start
scs
__scs_entry_jumppad:
0x0: {  	(pc) =	sbr.rel $0x88, $3  }
0x1: {  	(tag) =	ssettag $0x0;
	lr =	simm.s32 $0x1  }
0x2: {  	[smem:$0x3F9B] =	sst lr;
	_ =	strace $0xD0000000  }
0x3: {  	_ = 	snop  }
0x4: {  	_ = 	snop  }
0x5: {  	_ = 	snop  }
0x6: {  	_ = 	snop  }
0x7: {  	_ = 	snop  }
__scs_overlays_trampoline_lowered:
0x8: {  	[smem:$0x3FAA] =	sst s0  }
0x9: {  	[smem:$0x3FAB] =	sst s1  }
0xa: {  	[smem:$0x3FAC] =	sst s2  }
0xb: {  	[smem:$0x3FAD] =	sst s3  }
0xc: {  	[smem:$0x3FAE] =	sst s4  }
0xd: {  	[smem:$0x3FAF] =	sst s5  }
0xe: {  	[smem:$0x3FB0] =	sst s6  }
0xf: {  	[smem:$0x3FB1] =	sst s7  }
0x10: {  	[smem:$0x3FB2] =	sst s8  }
0x11: {  	[smem:$0x3FB3] =	sst s9;
	s0 =	simm.s32 @!p0 $0x0  }
0x12: {  	s1 =	sld [smem:$0x3F99];
	s0 =	simm.s32 @p0 $0x1  }
0x13: {  	[smem:$0x3FB4] =	sst s0;
	s0 =	simm.s32 @!p1 $0x0  }
0x14: {  	s2 =	sld [smem:$0x3F98];
	s0 =	simm.s32 @p1 $0x1  }
0x15: {  	[smem:$0x3FB5] =	sst s0;
	s0 =	simm.s32 @!p2 $0x0  }
0x16: {  	s3 =	sld [smem:$0x3FDB];
	s0 =	simm.s32 @p2 $0x1  }
0x17: {  	s4 =	simm.s32 $0x1BF5;
	[smem:$0x3FB7] =	sst s0  }
0x18: {  	s0 =	sld [smem:$0x3F9A];
	_ =	swait.ge [sflag:s4], $0x0  }
0x19: {  	s7 =	sld [smem:$0x3F9B]  }
0x1a: {  	s8 =	sadd.s32 $0xFFFFE003, lr  }
0x1b: {  	s9 =	sadd.s32 $0xFFFFFEF7, lr;
	s5 =	simm.s32 $0xFFFFFFFF;
	p2 =	slt.u32 s8, $0xFFFFF086  }
0x1c: {  	p1 =	slt.u32 s9, $0xF7A;
	s5 =	simm.s32 @!p2 $0x0  }
0x1d: {  	s5 =	simm.s32 @p1 $0x1;
	p0 =	seq.s32 s7, s2  }
0x1e: {  	s7 =	smul.u32 @!p0 $0xF7A, s2;
	p2 =	seq.s32 @!p0 s5, $0x0  }
0x1f: {  	s9 =	smul.u32 $0xF7A, s1;
	s8 =	simm.s32 @!p0 $0x1BF5;
	p2 =	por !p2, p0  }
0x20: {  	[sflag:s8] =	ssyncset.s32 @!p0 $0xFFFFF086;
	s6 =	sadd.s32 @!p0 s3, s7;
	s7 =	simm.s32 @!p0 $0x108  }
0x21: {  	s3 =	sadd.s32 s3, s9;
	s6 =	sadd.s32 @!p0 $0x88, s6;
	s7 =	simm.s32 @p2 $0x1082  }
0x22: {  	[simem:s7], [sflag:s8] =	dma.local @!p0 [hbm:s6], $0xF7A  }
0x23: {  	s9 =	sor.u32 $0xD0000000, s2;
	s6 =	simm.s32 $0x108;
	_ =	swait.ge @!p0 [sflag:s8], $0x0  }
0x24: {  	s3 =	sadd.s32 $0x88, s3;
	s6 =	simm.s32 @!p1 $0x1082;
	[sflag:s4] =	ssyncset.s32 $0xFFFFF086  }
0x25: {  	[simem:s6], [sflag:s4] =	dma.local [hbm:s3], $0xF7A  }
0x26: {  	[smem:$0x3F9B] =	sst s1;
	(tag) =	ssettag s2;
	_ =	strace s9  }
0x27: {  	s1 =	sld [smem:$0x3FAB]  }
0x28: {  	s2 =	sld [smem:$0x3FAC]  }
0x29: {  	s4 =	sld [smem:$0x3FAE]  }
0x2a: {  	p0 =	seq.s32 s5, $0x0;
	s5 =	sld [smem:$0x3FAF]  }
0x2b: {  	s6 =	sld [smem:$0x3FB0]  }
0x2c: {  	s7 =	sld [smem:$0x3FB1]  }
0x2d: {  	s3 =	simm.s32 $0x108;
	s8 =	sld [smem:$0x3FB2]  }
0x2e: {  	s3 =	simm.s32 @!p0 $0x1082;
	s9 =	sld [smem:$0x3FB3]  }
0x2f: {  	lr =	sadd.s32 s0, s3;
	s0 =	sld [smem:$0x3FAA]  }
0x30: {  	s3 =	sld [smem:$0x3FAD]  }
0x31: {  	[smem:$0x3FB6] =	sst s10  }
0x32: {  	s10 =	sld [smem:$0x3FB4];
	_ =	sdelay $0x3  }
0x33: {  	p0 =	seq.s32 s10, $0x1;
	s10 =	sld [smem:$0x3FB6];
	_ =	sdelay $0x3  }
0x34: {  	[smem:$0x3FB6] =	sst s10  }
0x35: {  	s10 =	sld [smem:$0x3FB5];
	_ =	sdelay $0x3  }
0x36: {  	p1 =	seq.s32 s10, $0x1;
	s10 =	sld [smem:$0x3FB6];
	_ =	sdelay $0x3  }
0x37: {  	[smem:$0x3FB6] =	sst s10  }
0x38: {  	s10 =	sld [smem:$0x3FB7]  }
0x39: {  	_ = 	snop;
	(pc) =	sbr.ind lr, $3  }
0x3a: {  	_ = 	snop  }
0x3b: {  	_ = 	snop  }
0x3c: {  	p2 =	seq.s32 s10, $0x1;
	s10 =	sld [smem:$0x3FB6]  }
0x3d: {  	_ =	shalt  }
0x3e: {  	_ =	shalt  }
0x3f: {  	_ =	shalt  }
0x40: {  	_ =	shalt  }
0x41: {  	_ =	shalt  }
0x42: {  	_ =	shalt  }
0x43: {  	_ =	shalt  }
0x44: {  	_ =	shalt  }
0x45: {  	_ =	shalt  }
0x46: {  	_ =	shalt  }
0x47: {  	_ =	shalt  }
0x48: {  	_ =	shalt  }
0x49: {  	_ =	shalt  }
0x4a: {  	_ =	shalt  }
0x4b: {  	_ =	shalt  }
0x4c: {  	_ =	shalt  }
0x4d: {  	_ =	shalt  }
0x4e: {  	_ =	shalt  }
0x4f: {  	_ =	shalt  }
0x50: {  	_ =	shalt  }
0x51: {  	_ =	shalt  }
0x52: {  	_ =	shalt  }
0x53: {  	_ =	shalt  }
0x54: {  	_ =	shalt  }
0x55: {  	_ =	shalt  }
0x56: {  	_ =	shalt  }
0x57: {  	_ =	shalt  }
0x58: {  	_ =	shalt  }
0x59: {  	_ =	shalt  }
0x5a: {  	_ =	shalt  }
0x5b: {  	_ =	shalt  }
0x5c: {  	_ =	shalt  }
0x5d: {  	_ =	shalt  }
0x5e: {  	_ =	shalt  }
0x5f: {  	_ =	shalt  }
0x60: {  	_ =	shalt  }
0x61: {  	_ =	shalt  }
0x62: {  	_ =	shalt  }
0x63: {  	_ =	shalt  }
0x64: {  	_ =	shalt  }
0x65: {  	_ =	shalt  }
0x66: {  	_ =	shalt  }
0x67: {  	_ =	shalt  }
0x68: {  	_ =	shalt  }
0x69: {  	_ =	shalt  }
0x6a: {  	_ =	shalt  }
0x6b: {  	_ =	shalt  }
0x6c: {  	_ =	shalt  }
0x6d: {  	_ =	shalt  }
0x6e: {  	_ =	shalt  }
0x6f: {  	_ =	shalt  }
0x70: {  	_ =	shalt  }
0x71: {  	_ =	shalt  }
0x72: {  	_ =	shalt  }
0x73: {  	_ =	shalt  }
0x74: {  	_ =	shalt  }
0x75: {  	_ =	shalt  }
0x76: {  	_ =	shalt  }
0x77: {  	_ =	shalt  }
0x78: {  	_ =	shalt  }
0x79: {  	_ =	shalt  }
0x7a: {  	_ =	shalt  }
0x7b: {  	_ =	shalt  }
0x7c: {  	_ =	shalt  }
0x7d: {  	_ =	shalt  }
0x7e: {  	_ =	shalt  }
0x7f: {  	_ =	shalt  }
0x80: {  	_ =	shalt  }
0x81: {  	_ =	shalt  }
0x82: {  	_ =	shalt  }
0x83: {  	_ =	shalt  }
0x84: {  	_ =	shalt  }
0x85: {  	_ =	shalt  }
0x86: {  	_ =	shalt  }
0x87: {  	_ =	shalt  }
.Lfunc_end0:
.L_simem_size_0:
called_computation_lowered:
.L_overlay_start_0:
0x88: {  	s2 =	sld [smem:$0x3FD9]  }
0x89: {  	s3 =	sld [smem:$0x3FFE];
	_ =	sdelay $0x1  }
0x8a: {  	s1 =	srdreg.scid  }
0x8b: {  	s0 =	sand.u32 $0x1, s1  }
0x8c: {  	s17 =	sshll.u32 s0, $0xA;
	s2 =	sadd.s32 s3, s2  }
0x8d: {  	s2 =	sadd.s32 s2, s17  }
0x8e: {  	[smem:$0x3FC2] =	sst s2  }
0x8f: {  	_ = 	snop  }
0x90: {  	s2 =	sld [smem:$0x3FC9]  }
0x91: {  	s18 =	sld [smem:$0x3FC8]  }
0x92: {  	s4 =	sld [smem:$0x3FC7]  }
0x93: {  	s5 =	sld [smem:$0x3FC5]  }
0x94: {  	s6 =	sld [smem:$0x3FD0];
	(tm) =	ssettm $0x1  }
0x95: {  	s7 =	sld [smem:$0x3FFB];
	_ =	sdelay $0x3  }
0x96: {  	_ =	strace s7  }
0x97: {  	s7 =	sld [smem:$0x3FFC];
	_ =	sdelay $0x3  }
0x98: {  	_ =	strace s7  }
0x99: {  	s7 =	sld [smem:$0x3FFD];
	_ =	sdelay $0x3  }
0x9a: {  	_ =	strace s7  }
0x9b: {  	_ =	strace $0x8FFFFFFF  }
0x9c: {  	s19 =	sld [smem:$0x3FDB];
	_ =	sdelay $0x1  }
0x9d: {  	s8 =	simm.s32 $_scs_section_size  }
0x9e: {  	s9 =	simm.s32 $_size__tile_overlayer_lowered;
	s10 =	simm.s32 $_tile_overlayer_lowered  }
0x9f: {  	s22 =	simm.s32 $0x1BFF;
	s21 =	sshll.u32 s10, $0x1;
	s7 =	sadd.s32 s8, s19  }
0xa0: {  	s11 =	simm.s32 $0x0;
	s20 =	sshll.u32 s9, $0x1;
	s9 =	sadd.s32 s21, s7  }
0xa1: {  	[timem:s11], [sflag:s22] =	dma.local [hbm:s9], s20  }
0xa2: {  	_ =	swait.ge [sflag:s22], s20  }
0xa3: {  	s8 =	ssub.s32 $0x0, s20;
	[sflag:s22] =	ssyncset.done $0x0  }
0xa4: {  	[sflag:s22] =	ssyncadd.s32 s8;
	_ =	sdelay $0x1  }
0xa5: {  	s23 =	simm.s32 $0x1B8B  }
0xa6: {  	_ =	swait.ge [sflag:s23], $0x1  }
0xa7: {  	[sflag:s23] =	ssyncset.done $0x0  }
0xa8: {  	s25 =	simm.s32 $0x1B8E;
	s24 =	sld [smem:$0x3FFE];
	[sflag:s23] =	ssyncadd.s32 $0xFFFFFFFF  }
0xa9: {  	s26 =	simm.s32 $execute0_lowered;
	[smem:$0x3FD2] =	sst s25  }
0xaa: {  	s9 =	sshll.u32 s26, $0x1;
	_ =	strace $0x80000046;
	[dreg:$0x1] =	wrdreg $0xFFFFFFFF  }
0xab: {  	s28 =	simm.s32 $_size_execute0_lowered;
	s7 =	sadd.s32 s7, s9;
	[dreg:$0x0] =	wrdreg $0x0  }
0xac: {  	s9 =	sshll.u32 s28, $0x1;
	[dreg:$0x2] =	wrdreg s7  }
0xad: {  	[dreg:$0x3] =	wrdreg s9  }
0xae: {  	[dreg:$0x4] =	wrdreg $0xC0  }
0xaf: {  	_ =	task [dreg:s11], $0x5FFFF  }
0xb0: {  	[dreg:$0x1] =	wrdreg $0xFFFFFFFF  }
0xb1: {  	[dreg:$0x0] =	wrdreg $0x60  }
0xb2: {  	[dreg:$0x2] =	wrdreg s2  }
0xb3: {  	[dreg:$0x3] =	wrdreg s18  }
0xb4: {  	[dreg:$0x4] =	wrdreg s4  }
0xb5: {  	[dreg:$0x5] =	wrdreg s24  }
0xb6: {  	[dreg:$0x6] =	wrdreg s5  }
0xb7: {  	[dreg:$0x7] =	wrdreg s6  }
0xb8: {  	[dreg:$0x8] =	wrdreg $0x150000  }
0xb9: {  	[dreg:$0x9] =	wrdreg $0x168700  }
0xba: {  	[dreg:$0xa] =	wrdreg $0x180E00  }
0xbb: {  	[dreg:$0xb] =	wrdreg $0x9  }
0xbc: {  	_ =	task.clear_ibuf [dreg:s11], $0xCFFFF;
	_ =	strace $0x90000046  }
0xbd: {  	s29 =	simm.s32 $0x9;
	_ =	strace $0x80000048  }
0xbe: {  	_ =	swait.ge [sflag:s29], $0x1  }
0xbf: {  	[sflag:s29] =	ssyncadd.s32 $0xFFFFFFFF  }
0xc0: {  	_ =	strace $0x90000048  }
0xc1: {  	_ =	sfence  }
0xc2: {  	s30 =	sld [smem:$0x0];
	_ =	sdelay $0x2  }
0xc3: {  	s31 =	sshll.u32 s1, $0xD;
	s1 =	sshrl.u32 s1, $0x2  }
0xc4: {  	s3 =	sand.u32 $0x4000, s31;
	s1 =	sadd.s32 s1, s30  }
0xc5: {  	s0 =	sor.u32 s3, s0;
	s1 =	sshll.u32 s1, $0x11  }
0xc6: {  	s0 =	sor.u32 s1, s0  }
0xc7: {  	s0 =	sadd.s32 $0x8F2B, s0  }
0xc8: {  	[sflag:s0] =	ssyncadd.remote.s32 $0x1  }
0xc9: {  	_ =	sfence.sel $0xFFFF  }
0xca: {  	[dreg:$0x0] =	wrdreg $0xFFFFFFFF;
	(pc) =	sbr.abs _section_cstart, $3  }
0xcb: {  	[dreg:$0x1] =	wrdreg $0xFFFFFFFF  }
0xcc: {  	_ =	task.clear_ibuf [dreg:s11], $0x2FFFF;
	_ =	strace $0x9FFFFFFF  }
0xcd: {  	(tm) =	ssettm $0x7FFFFFFF  }
tec
execute0_lowered:
.L_overlay_start_1:
0x0: {  	(tag) =	ssettag $0x1  }
0x1: {  	s6 =	rddreg [dreg:$0x0]  }
0x2: {  	s9 =	rddreg [dreg:$0x1]  }
0x3: {  	s13 =	rddreg [dreg:$0x2]  }
0x4: {  	s0 =	rddreg [dreg:$0x3]  }
0x5: {  	s14 =	rddreg [dreg:$0x6]  }
0x6: {  	s7 =	rddreg [dreg:$0x7]  }
0x7: {  	s8 =	rddreg [dreg:$0x8];
	s3 =	simm.s32 $0x0;
	s1 =	srdreg.scid  }
0x8: {  	s2 =	stileid.u32;
	s31 =	simm.s32 $0x1;
	s15 =	simm.s32 $0x7000  }
0x9: {  	s16 =	simm.s32 $0x10000;
	s17 =	simm.s32 $0x14000;
	s18 =	simm.s32 $0x11000  }
0xa: {  	[smem:$0x7FF] =	sst s3;
	s1 =	sand.u32 $0x1, s1;
	s19 =	sshll.u32 s2, $0x1  }
0xb: {  	s10 =	sadd.s32 $0x18A400, s0;
	s11 =	sadd.s32 $0xC6E00, s0;
	s12 =	sadd.s32 $0x3800, s0  }
0xc: {  	s4 =	sadd.s32 $0x600, s0;
	p0 =	sne.s32 s2, $0x0;
	s2 =	simm.s32 $0x0  }
0xd: {  	_ =	strace $0x80000047;
	s3 =	sor.u32 s1, s19;
	s20 =	sshll.u32 s1, $0x4  }
0xe: {  	s1 =	ssub.s32 $0x2, s1;
	s3 =	smul.u32 $0x30D40, s3;
	s0 =	sadd.s32 s20, s0  }
0xf: {  	[dreg:$0xa] =	wrdreg s4;
	s21 =	sshrl.u32 s1, $0x1;
	s0 =	sadd.s32 $0x24DA00, s0  }
0x10: {  	s1 =	ssub.s32 s1, s21;
	s29 =	sadd.s32 $0xFA0, s3;
	[dreg:$0x13] =	wrdreg s0  }
0x11: {  	s5 =	sshrl.u32 s3, $0x3;
	s3 =	sadd.s32 $0x1F40, s3;
	[dreg:$0x11] =	wrdreg s29  }
0x12: {  	s4 =	simm.s32 $0xC000;
	s30 =	smax.u32 s1, $0x1;
	[dreg:$0x12] =	wrdreg s3  }
0x13: {  	s19 =	simm.s32 $0x4;
	s0 =	sshrl.u32 @!p0 s14, $0x3;
	[dreg:$0x14] =	wrdreg s30  }
0x14: {  	s21 =	smov.u32 s14;
	s22 =	sadd.s32 s6, s5;
	[dreg:$0x15] =	wrdreg s0  }
0x15: {  	s14 =	simm.s32 $0x6000;
	s23 =	sadd.s32 s9, s5;
	[dreg:$0xb] =	wrdreg s22  }
0x16: {  	s24 =	sadd.s32 s13, s5;
	s25 =	sadd.s32 s10, s5;
	[dreg:$0xc] =	wrdreg s23  }
0x17: {  	s26 =	sadd.s32 s11, s5;
	s28 =	sadd.s32 s12, s5;
	[dreg:$0xd] =	wrdreg s24  }
0x18: {  	s3 =	simm.s32 $0xFA0;
	s5 =	simm.s32 $0xD000;
	[dreg:$0xe] =	wrdreg s25  }
0x19: {  	s13 =	simm.s32 $0xE000;
	s9 =	simm.s32 $0x13000;
	[dreg:$0xf] =	wrdreg s26  }
0x1a: {  	[dreg:$0x10] =	wrdreg s28;
	s25 =	simm.s32 $0x1000;
	s22 =	simm.s32 $0x3  }
0x1b: {  	s23 =	simm.s32 $0x12000;
	s24 =	simm.s32 $0xF000;
	s26 =	simm.s32 $0x2  }
.LBB2_1:
0x1c: {  	[dreg:$0x16] =	wrdreg s2  }
0x1d: {  	s1 =	rddreg [dreg:$0x4]  }
0x1e: {  	s0 =	simm.s32 @!p0 $0x1C05;
	s2 =	rddreg [dreg:$0x15]  }
0x1f: {  	[spmem:s2], [sflag:s0] =	dma.local @!p0 [hbm:s1], $0x30E0  }
0x20: {  	s1 =	simm.s32 @!p0 $0x5  }
0x21: {  	_ =	swait.ge @!p0 [sflag:s1], $0x30E0  }
0x22: {  	[sflag:s1] =	ssyncset.done @!p0 $0x0  }
0x23: {  	s2 =	sshrl.u32 @!p0 s7, $0x3;
	s6 =	rddreg [dreg:$0xa];
	[sflag:s1] =	ssyncadd.s32 @!p0 $0xFFFFCF20  }
0x24: {  	[spmem:s2], [sflag:s0] =	dma.local @!p0 [hbm:s6], $0x30E0  }
0x25: {  	_ =	swait.ge @!p0 [sflag:s1], $0x30E0  }
0x26: {  	s6 =	sshrl.u32 @!p0 s8, $0x3;
	[sflag:s1] =	ssyncset.done @!p0 $0x0  }
0x27: {  	[dreg:$0x17] =	wrdreg s6;
	[sflag:s1] =	ssyncadd.s32 @!p0 $0xFFFFCF20  }
0x28: {  	s2 =	rddreg [dreg:$0x5]  }
0x29: {  	[spmem:s6], [sflag:s0] =	dma.local @!p0 [hbm:s2], $0x9280  }
0x2a: {  	_ =	swait.ge @!p0 [sflag:s1], $0x9280  }
0x2b: {  	[sflag:s1] =	ssyncset.done @!p0 $0x0  }
0x2c: {  	[sflag:s1] =	ssyncadd.s32 @!p0 $0xFFFF6D80  }
0x2d: {  	[bflag:$0x0] =	sbarrier.arrive $0xFFFF  }
0x2e: {  	s0 =	simm.s32 $0x0;
	s30 =	rddreg [dreg:$0xb]  }
0x2f: {  	[tilespmem:s0], [sflag:$0x1] =	stream.linear.gather [hbm4b:s30+s0], $0xFA0, $0x38;
	[tilespmem:$0x1CA20] =	vst v63  }
0x30: {  	s2 =	rddreg [dreg:$0xc]  }
0x31: {  	[tilespmem:s25], [sflag:$0x1] =	stream.linear.gather [hbm4b:s2+s0], $0xFA0, $0x38;
	[tilespmem:$0x1CA20] =	vst v63  }
0x32: {  	s20 =	simm.s32 $0x2000;
	s6 =	rddreg [dreg:$0xd]  }
0x33: {  	[tilespmem:s20], [sflag:$0x1] =	stream.linear.gather [hbm4b:s6+s0], $0xFA0, $0x38;
	[tilespmem:$0x1CA20] =	vst v63  }
0x34: {  	s29 =	rddreg [dreg:$0xe];
	s30 =	simm.s32 $0x3000  }
0x35: {  	[tilespmem:s30], [sflag:$0x1] =	stream.linear.gather [hbm4b:s29+s0], $0xFA0, $0x38;
	[tilespmem:$0x1CA20] =	vst v63  }
0x36: {  	s6 =	rddreg [dreg:$0xf];
	s20 =	simm.s32 $0x4000  }
0x37: {  	[tilespmem:s20], [sflag:$0x1] =	stream.linear.gather [hbm4b:s6+s0], $0xFA0, $0x38;
	[tilespmem:$0x1CA20] =	vst v63  }
0x38: {  	s28 =	simm.s32 $0x0;
	s29 =	rddreg [dreg:$0x10];
	s30 =	simm.s32 $0x5000  }
0x39: {  	[tilespmem:s30], [sflag:$0x1] =	stream.linear.gather [hbm4b:s29+s0], $0xFA0, $0x38;
	[tilespmem:$0x1CA20] =	vst v63  }
.LBB2_2:
0x3a: {  	_ =	swait.ge [sflag:s31], $0xFA0  }
0x3b: {  	[sflag:s31] =	ssyncset.done $0x0  }
0x3c: {  	[sflag:s31] =	ssyncadd.s32 $0xFFFFF060  }
0x3d: {  	_ =	swait.ge [sflag:s31], $0xFA0  }
0x3e: {  	[sflag:s31] =	ssyncset.done $0x0  }
0x3f: {  	[sflag:s31] =	ssyncadd.s32 $0xFFFFF060  }
0x40: {  	_ =	swait.ge [sflag:s31], $0xFA0  }
0x41: {  	[sflag:s31] =	ssyncset.done $0x0  }
0x42: {  	[sflag:s31] =	ssyncadd.s32 $0xFFFFF060  }
0x43: {  	_ =	swait.ge [sflag:s31], $0xFA0  }
0x44: {  	[sflag:s31] =	ssyncset.done $0x0  }
0x45: {  	[sflag:s31] =	ssyncadd.s32 $0xFFFFF060  }
0x46: {  	_ =	swait.ge [sflag:s31], $0xFA0  }
0x47: {  	[sflag:s31] =	ssyncset.done $0x0  }
0x48: {  	[sflag:s31] =	ssyncadd.s32 $0xFFFFF060  }
0x49: {  	_ =	swait.ge [sflag:s31], $0xFA0  }
0x4a: {  	[sflag:s31] =	ssyncset.done $0x0  }
0x4b: {  	s1 =	smul.u32 $0x1F40, s28;
	s2 =	rddreg [dreg:$0x11];
	[sflag:s31] =	ssyncadd.s32 $0xFFFFF060  }
0x4c: {  	[tilespmem:s4], [sflag:$0x3] =	stream.indirect.gather [spmem:s21], $0x1, s25, s3, $0xb8;
	[tilespmem:$0x1CA20] =	vst v63  }
0x4d: {  	s0 =	simm.s32 $0x0;
	s1 =	sadd.s32 s1, s2  }
0x4e: {  	[tilespmem:s5], [sflag:$0x3] =	stream.indirect.gather [spmem:s7], $0x1, s0, s3, $0xb8;
	[tilespmem:$0x1CA20] =	vst v63  }
0x4f: {  	s1 =	sshrl.u32 s1, $0x3;
	s20 =	rddreg [dreg:$0x0]  }
0x50: {  	[tilespmem:s13], [sflag:$0x3] =	stream.indirect.gather [spmem:s7], $0x1, s25, s3, $0xb8;
	[tilespmem:$0x1CA20] =	vst v63  }
0x51: {  	s6 =	rddreg [dreg:$0x1];
	s2 =	sadd.s32 s20, s1  }
0x52: {  	[tilespmem:s14], [sflag:$0x2] =	stream.linear.gather [hbm4b:s2+s0], $0xFA0, $0x38;
	[tilespmem:$0x1CA20] =	vst v63  }
0x53: {  	s20 =	rddreg [dreg:$0x2];
	s2 =	sadd.s32 s6, s1  }
0x54: {  	[tilespmem:s15], [sflag:$0x2] =	stream.linear.gather [hbm4b:s2+s0], $0xFA0, $0x38;
	[tilespmem:$0x1CA20] =	vst v63  }
0x55: {  	s6 =	simm.s32 $0x8000;
	s2 =	sadd.s32 s20, s1  }
0x56: {  	[tilespmem:s6], [sflag:$0x2] =	stream.linear.gather [hbm4b:s2+s0], $0xFA0, $0x38;
	[tilespmem:$0x1CA20] =	vst v63  }
0x57: {  	s20 =	simm.s32 $0x9000;
	s6 =	sadd.s32 s10, s1  }
0x58: {  	[tilespmem:s20], [sflag:$0x2] =	stream.linear.gather [hbm4b:s6+s0], $0xFA0, $0x38;
	[tilespmem:$0x1CA20] =	vst v63  }
0x59: {  	s6 =	sadd.s32 s11, s1;
	s20 =	simm.s32 $0xA000  }
0x5a: {  	[tilespmem:s20], [sflag:$0x2] =	stream.linear.gather [hbm4b:s6+s0], $0xFA0, $0x38;
	[tilespmem:$0x1CA20] =	vst v63  }
0x5b: {  	s1 =	sadd.s32 s12, s1;
	s20 =	simm.s32 $0xB000  }
0x5c: {  	[tilespmem:s20], [sflag:$0x2] =	stream.linear.gather [hbm4b:s1+s0], $0xFA0, $0x38;
	[tilespmem:$0x1CA20] =	vst v63  }
0x5d: {  	_ =	swait.ge [sflag:s22], $0xFA0  }
0x5e: {  	[sflag:s22] =	ssyncset.done $0x0  }
0x5f: {  	[sflag:s22] =	ssyncadd.s32 $0xFFFFF060  }
0x60: {  	_ =	swait.ge [sflag:s22], $0xFA0  }
0x61: {  	[sflag:s22] =	ssyncset.done $0x0  }
0x62: {  	[sflag:s22] =	ssyncadd.s32 $0xFFFFF060  }
0x63: {  	_ =	swait.ge [sflag:s22], $0xFA0  }
0x64: {  	[sflag:s22] =	ssyncset.done $0x0  }
0x65: {  	s1 =	simm.s32 $0x0;
	[sflag:s22] =	ssyncadd.s32 $0xFFFFF060  }
0x66: {  	v0 =	vld [tilespmem:s1+$0x2000];
	_ =	sdelay $0x3  }
0x67: {  	v1 =	vld [tilespmem:s1+$0x0]  }
0x68: {  	v2 =	vshra.s32 v0, $0x1;
	v5 =	vmul.f32 $5.000000000e-01, v0  }
0x69: {  	v2 =	vsub.s32 $0x5F3759DF, v2  }
0x6a: {  	v3 =	vmul.f32 v2, v5;
	_ =	sdelay $0x1  }
0x6b: {  	v1 =	vmul.u32 $0x3, v1;
	v3 =	vmul.f32 v2, v3;
	_ =	sdelay $0x1  }
0x6c: {  	[tilespmem:s1+$0x12000] =	vst v1;
	v7 =	vadd.s32 $0x1, v1;
	v3 =	vsub.f32 $1.500000000e+00, v3  }
0x6d: {  	s30 =	simm.s32 $0x10;
	[tilespmem:s1+$0x13000] =	vst v7  }
0x6e: {  	v7 =	vld [tilespmem:s30+$0x2000];
	v2 =	vmul.f32 v2, v3;
	_ =	sdelay $0x1  }
0x6f: {  	v3 =	vmul.f32 v2, v5;
	_ =	sdelay $0x1  }
0x70: {  	v8 =	vld [tilespmem:s30+$0x0];
	v3 =	vmul.f32 v3, v2  }
0x71: {  	v9 =	vshra.s32 v7, $0x1;
	v10 =	vmul.f32 $5.000000000e-01, v7  }
0x72: {  	v1 =	vadd.s32 $0x2, v1;
	v9 =	vsub.s32 $0x5F3759DF, v9;
	v11 =	vsub.f32 $1.500000000e+00, v3  }
0x73: {  	[tilespmem:s1+$0x14000] =	vst v1;
	v1 =	vmul.f32 v9, v10  }
0x74: {  	v11 =	vmul.f32 v11, v2  }
0x75: {  	v8 =	vmul.u32 $0x3, v8;
	v1 =	vmul.f32 v9, v1  }
0x76: {  	v6 =	vld [tilespmem:s1+$0x3000];
	v5 =	vmul.f32 v11, v5  }
0x77: {  	v4 =	vld [tilespmem:s1+$0x4000];
	[tilespmem:s30+$0x12000] =	vst v8;
	v12 =	vadd.s32 $0x1, v8;
	v1 =	vsub.f32 $1.500000000e+00, v1  }
0x78: {  	s29 =	simm.s32 $0x20;
	[tilespmem:s30+$0x13000] =	vst v12;
	v5 =	vmul.f32 v5, v11  }
0x79: {  	v8 =	vadd.s32 $0x2, v8;
	v13 =	vld [tilespmem:s29+$0x2000];
	v9 =	vmul.f32 v9, v1  }
0x7a: {  	v12 =	vld [tilespmem:s29+$0x0];
	[tilespmem:s30+$0x14000] =	vst v8;
	v1 =	vsub.f32 $1.500000000e+00, v5  }
0x7b: {  	v8 =	vld [tilespmem:s1+$0xD000];
	v5 =	vmul.f32 v9, v10  }
0x7c: {  	v0 =	vmul.f32 v0, v0;
	v17 =	vmul.f32 v1, v11  }
0x7d: {  	v1 =	vmul.f32 v5, v9;
	v5 =	vld [tilespmem:s1+$0xE000]  }
0x7e: {  	v18 =	vmul.f32 $5.000000000e-01, v13;
	v11 =	vshra.s32 v13, $0x1;
	v0 =	vmul.f32 v17, v0  }
0x7f: {  	v11 =	vsub.s32 $0x5F3759DF, v11;
	v14 =	vsub.f32 $1.500000000e+00, v1  }
0x80: {  	v15 =	vmul.f32 v11, v18;
	v8 =	vmul.f32 v0, v8  }
0x81: {  	v9 =	vmul.f32 v14, v9  }
0x82: {  	v12 =	vmul.u32 $0x3, v12;
	v14 =	vmul.f32 v11, v15;
	v5 =	vmul.f32 v8, v5  }
0x83: {  	v3 =	vld [tilespmem:s30+$0x3000];
	v10 =	vmul.f32 v9, v10  }
0x84: {  	v2 =	vld [tilespmem:s30+$0x4000];
	[tilespmem:s29+$0x12000] =	vst v12;
	v8 =	vadd.s32 $0x1, v12;
	v14 =	vsub.f32 $1.500000000e+00, v14;
	v5 =	vmul.f32 $-6.999999880e-01, v5  }
0x85: {  	s0 =	simm.s32 $0x30;
	[tilespmem:s29+$0x13000] =	vst v8;
	v10 =	vmul.f32 v10, v9  }
0x86: {  	v12 =	vadd.s32 $0x2, v12;
	v8 =	vld [tilespmem:s0+$0x2000];
	v16 =	vmul.f32 v11, v14;
	v5 =	vmul.f32 $1.442695020e+00, v5  }
0x87: {  	v15 =	vld [tilespmem:s0+$0x0];
	[tilespmem:s29+$0x14000] =	vst v12;
	v10 =	vsub.f32 $1.500000000e+00, v10  }
0x88: {  	v12 =	vld [tilespmem:s30+$0xD000];
	v11 =	vmul.f32 v16, v18;
	(erf) = vpow2.f32 v5  }
0x89: {  	v5 =	vmul.f32 v7, v7;
	v9 =	vmul.f32 v10, v9  }
0x8a: {  	v10 =	vld [tilespmem:s30+$0xE000]  }
0x8b: {  	v7 =	vmul.f32 v11, v16;
	v19 =	vmul.f32 v9, v5  }
0x8c: {  	v14 =	vshra.s32 v8, $0x1;
	v11 =	vmul.f32 $5.000000000e-01, v8;
	v15 =	vmul.u32 $0x3, v15  }
0x8d: {  	v1 =	vld [tilespmem:s29+$0x3000];
	v14 =	vsub.s32 $0x5F3759DF, v14;
	v20 =	vsub.f32 $1.500000000e+00, v7;
	v19 =	vmul.f32 v19, v12  }
0x8e: {  	v0 =	vld [tilespmem:s29+$0x4000];
	v21 =	vmul.f32 v14, v11  }
0x8f: {  	v7 =	vld [tilespmem:s0+$0x4000];
	[tilespmem:s0+$0x12000] =	vst v15;
	v12 =	vmul.f32 v20, v16;
	v10 =	vmul.f32 v19, v10;
	v19 =	vadd.s32 $0x1, v15  }
0x90: {  	v16 =	vadd.s32 $0x2, v15;
	v20 =	vmul.f32 v14, v21;
	v15 =	vld [tilespmem:s1+$0xC000]  }
0x91: {  	v21 =	vmul.f32 v12, v18  }
0x92: {  	s2 =	simm.s32 $0x40;
	v13 =	vmul.f32 v13, v13;
	v5 =	vld [tilespmem:s0+$0x3000];
	v18 =	vsub.f32 $1.500000000e+00, v20;
	[tilespmem:s0+$0x13000] =	vst v19;
	v20 =	vmul.f32 $-6.999999880e-01, v10;
	v19 =	vpop (erf)  }
0x93: {  	s6 =	simm.s32 $0x140;
	v17 =	vmul.f32 v17, v17;
	v10 =	vld [tilespmem:s2+$0x2000];
	v21 =	vmul.f32 v21, v12;
	v19 =	vsub.f32 $1.000000000e+00, v19  }
.LBB2_3:
0x94: {  	p1 =	sne.s32 s6, $0x3E40;
	v22 =	vld [tilespmem:s2+$0x0];
	v18 =	vmul.f32 v14, v18;
	[tilespmem:s0+$0x14000] =	vst v16;
	v14 =	vmul.f32 $1.442695020e+00, v20;
	v20 =	vmovc v11;
	v23 =	vmovc v4;
	v4 =	vmov v2;
	s20 =	smov.u32 s29;
	s29 =	smov.u32 s0  }
0x95: {  	v2 =	vmovc v0;
	v0 =	vmovc v7;
	s0 =	smov.u32 s2;
	v11 =	vsub.f32 $1.500000000e+00, v21;
	v16 =	vmul.f32 v17, v17;
	v15 =	vmul.f32 v19, v15;
	v19 =	vld [tilespmem:s1+$0x5000]  }
0x96: {  	v24 =	vmov v8;
	v7 =	vmul.f32 v18, v20;
	v21 =	vld [tilespmem:s20+$0xD000];
	(erf) = vpow2.f32 v14  }
0x97: {  	v25 =	vld [tilespmem:s0+$0x3000];
	v26 =	vmul.f32 v11, v12;
	v12 =	vmul.f32 v16, v17;
	v15 =	vsub.f32 $0.0e+00, v15  }
0x98: {  	v14 =	vshra.s32 v10, $0x1;
	v11 =	vmul.f32 $5.000000000e-01, v10;
	v16 =	vmul.f32 v7, v18;
	v17 =	vld [tilespmem:s20+$0xE000];
	v8 =	vmovc v10  }
0x99: {  	v14 =	vsub.s32 $0x5F3759DF, v14;
	v7 =	vld [tilespmem:s0+$0x4000];
	v10 =	vmul.f32 v26, v13;
	v13 =	vmul.f32 v15, v12  }
0x9a: {  	v22 =	vmul.u32 $0x3, v22;
	v15 =	vmul.f32 v14, v11;
	v12 =	vsub.f32 $1.500000000e+00, v16  }
0x9b: {  	v10 =	vmul.f32 v10, v21;
	v19 =	vmul.f32 v13, v19  }
.Ltmp0:
0x9c: {  	v21 =	vadd.s32 $0x1, v22;
	[tilespmem:s0+$0x12000] =	vst v22;
	v12 =	vmul.f32 v12, v18;
	v18 =	vmul.f32 v13, v6;
	v6 =	vmovc v3;
	(pc) =	sbr.rel @p1 .LBB2_3-.Ltmp0, $4  }
0x9d: {  	v16 =	vadd.s32 $0x2, v22;
	v27 =	vmul.f32 v14, v15;
	v3 =	vmovc v1;
	v10 =	vmul.f32 v10, v17;
	v15 =	vld [tilespmem:s30+$0xC000];
	[tilespmem:s1+$0x11000] =	vst v19  }
0x9e: {  	v22 =	vmul.f32 v13, v23;
	v1 =	vmovc v5;
	v5 =	vmov v25;
	v17 =	vmul.f32 v12, v20;
	[tilespmem:s1+$0xF000] =	vst v18  }
0x9f: {  	s2 =	sshra.s32 s6, $0x2;
	v13 =	vmul.f32 v24, v24;
	v18 =	vsub.f32 $1.500000000e+00, v27;
	[tilespmem:s0+$0x13000] =	vst v21;
	v20 =	vmul.f32 $-6.999999880e-01, v10;
	v19 =	vpop (erf)  }
0xa0: {  	s6 =	sadd.s32 $0x40, s6;
	v10 =	vld [tilespmem:s2+$0x2000];
	v21 =	vmul.f32 v17, v12;
	v19 =	vsub.f32 $1.000000000e+00, v19;
	v17 =	vmul.f32 v9, v9;
	[tilespmem:s1+$0x10000] =	vst v22;
	v9 =	vmovc v26;
	s1 =	smov.u32 s30;
	s30 =	smov.u32 s20  }
0xa1: {  	v14 =	vmul.f32 v14, v18  }
0xa2: {  	v20 =	vmul.f32 $1.442695020e+00, v20;
	v21 =	vsub.f32 $1.500000000e+00, v21;
	v22 =	vmul.f32 v17, v17  }
0xa3: {  	v18 =	vld [tilespmem:s2+$0x0];
	[tilespmem:s0+$0x14000] =	vst v16;
	v15 =	vmul.f32 v19, v15;
	v16 =	vmul.f32 v14, v11  }
0xa4: {  	v19 =	vld [tilespmem:s29+$0xD000];
	(erf) = vpow2.f32 v20;
	v12 =	vmul.f32 v21, v12  }
0xa5: {  	v20 =	vld [tilespmem:s1+$0x5000];
	v17 =	vmul.f32 v22, v17;
	v21 =	vshra.s32 v10, $0x1;
	v22 =	vmul.f32 $5.000000000e-01, v10  }
0xa6: {  	v15 =	vsub.f32 $0.0e+00, v15;
	v16 =	vmul.f32 v16, v14;
	v21 =	vsub.s32 $0x5F3759DF, v21  }
0xa7: {  	v13 =	vmul.f32 v12, v13;
	v24 =	vmul.f32 v21, v22  }
0xa8: {  	v15 =	vmul.f32 v15, v17;
	v16 =	vsub.f32 $1.500000000e+00, v16  }
0xa9: {  	v23 =	vld [tilespmem:s29+$0xE000];
	v17 =	vmul.u32 $0x3, v18;
	v13 =	vmul.f32 v13, v19;
	v19 =	vmul.f32 v21, v24  }
0xaa: {  	v25 =	vld [tilespmem:s2+$0x3000];
	v20 =	vmul.f32 v15, v20;
	v14 =	vmul.f32 v16, v14  }
0xab: {  	v18 =	vld [tilespmem:s2+$0x4000];
	[tilespmem:s2+$0x12000] =	vst v17;
	v6 =	vmul.f32 v15, v6;
	v19 =	vsub.f32 $1.500000000e+00, v19  }
0xac: {  	v9 =	vmul.f32 v9, v9;
	v16 =	vld [tilespmem:s30+$0xC000];
	[tilespmem:s1+$0x11000] =	vst v20;
	v11 =	vmul.f32 v14, v11  }
0xad: {  	v4 =	vmul.f32 v15, v4;
	v20 =	vadd.s32 $0x1, v17;
	[tilespmem:s1+$0xF000] =	vst v6;
	v6 =	vmul.f32 v21, v19  }
0xae: {  	v15 =	vadd.s32 $0x2, v17;
	v13 =	vmul.f32 v13, v23;
	[tilespmem:s2+$0x13000] =	vst v20;
	v17 =	vpop (erf);
	v11 =	vmul.f32 v11, v14  }
0xaf: {  	v8 =	vmul.f32 v8, v8;
	[tilespmem:s1+$0x10000] =	vst v4;
	v17 =	vsub.f32 $1.000000000e+00, v17;
	v4 =	vmul.f32 v6, v22  }
0xb0: {  	v13 =	vmul.f32 $-6.999999880e-01, v13;
	[tilespmem:s2+$0x14000] =	vst v15;
	v15 =	vmul.f32 v9, v9;
	v11 =	vsub.f32 $1.500000000e+00, v11  }
0xb1: {  	v16 =	vmul.f32 v17, v16;
	v17 =	vld [tilespmem:s0+$0xD000];
	v4 =	vmul.f32 v4, v6  }
0xb2: {  	v13 =	vmul.f32 $1.442695020e+00, v13;
	v19 =	vld [tilespmem:s30+$0x5000];
	v11 =	vmul.f32 v11, v14  }
0xb3: {  	v9 =	vmul.f32 v15, v9;
	v14 =	vsub.f32 $0.0e+00, v16;
	v4 =	vsub.f32 $1.500000000e+00, v4  }
0xb4: {  	v15 =	vld [tilespmem:s0+$0xE000];
	(erf) = vpow2.f32 v13;
	v8 =	vmul.f32 v11, v8  }
0xb5: {  	v9 =	vmul.f32 v14, v9;
	v4 =	vmul.f32 v4, v6  }
0xb6: {  	v6 =	vmul.f32 v8, v17  }
0xb7: {  	v8 =	vmul.f32 v9, v19;
	v13 =	vmul.f32 v4, v22  }
0xb8: {  	v3 =	vmul.f32 v9, v3;
	v2 =	vmul.f32 v9, v2  }
0xb9: {  	v14 =	vld [tilespmem:s29+$0xC000];
	v6 =	vmul.f32 v6, v15;
	[tilespmem:s30+$0x11000] =	vst v8;
	v8 =	vmul.f32 v13, v4  }
0xba: {  	[tilespmem:s30+$0xF000] =	vst v3  }
0xbb: {  	[tilespmem:s30+$0x10000] =	vst v2;
	v3 =	vmul.f32 $-6.999999880e-01, v6;
	v2 =	vsub.f32 $1.500000000e+00, v8  }
0xbc: {  	v6 =	vmul.f32 v10, v10;
	v8 =	vld [tilespmem:s2+$0xD000]  }
0xbd: {  	v3 =	vmul.f32 $1.442695020e+00, v3;
	v2 =	vmul.f32 v2, v4;
	v4 =	vpop (erf)  }
0xbe: {  	v9 =	vmul.f32 v12, v12;
	v10 =	vld [tilespmem:s2+$0xE000];
	v4 =	vsub.f32 $1.000000000e+00, v4  }
0xbf: {  	(erf) = vpow2.f32 v3;
	v3 =	vmul.f32 v2, v6  }
0xc0: {  	v6 =	vmul.f32 v9, v9;
	v4 =	vmul.f32 v4, v14  }
0xc1: {  	v3 =	vmul.f32 v3, v8  }
0xc2: {  	v8 =	vld [tilespmem:s29+$0x5000];
	v6 =	vmul.f32 v6, v9;
	v4 =	vsub.f32 $0.0e+00, v4  }
0xc3: {  	v3 =	vmul.f32 v3, v10  }
0xc4: {  	v4 =	vmul.f32 v4, v6  }
0xc5: {  	v3 =	vmul.f32 $-6.999999880e-01, v3  }
0xc6: {  	v6 =	vld [tilespmem:s0+$0xC000]  }
0xc7: {  	v8 =	vmul.f32 v4, v8;
	v3 =	vmul.f32 $1.442695020e+00, v3  }
0xc8: {  	v1 =	vmul.f32 v4, v1;
	v0 =	vmul.f32 v4, v0;
	v4 =	vpop (erf)  }
0xc9: {  	[tilespmem:s29+$0x11000] =	vst v8;
	v8 =	vmul.f32 v11, v11;
	v4 =	vsub.f32 $1.000000000e+00, v4;
	(erf) = vpow2.f32 v3  }
0xca: {  	[tilespmem:s29+$0xF000] =	vst v1  }
0xcb: {  	[tilespmem:s29+$0x10000] =	vst v0;
	v0 =	vmul.f32 v8, v8;
	v1 =	vmul.f32 v4, v6  }
0xcc: {  	v3 =	vld [tilespmem:s0+$0x5000]  }
0xcd: {  	v0 =	vmul.f32 v0, v8;
	v1 =	vsub.f32 $0.0e+00, v1;
	_ =	sdelay $0x1  }
0xce: {  	v0 =	vmul.f32 v1, v0  }
0xcf: {  	v1 =	vld [tilespmem:s2+$0xC000]  }
0xd0: {  	v3 =	vmul.f32 v0, v3  }
0xd1: {  	v4 =	vmul.f32 v0, v5;
	v5 =	vpop (erf)  }
0xd2: {  	v2 =	vmul.f32 v2, v2;
	v0 =	vmul.f32 v0, v7;
	[tilespmem:s0+$0x11000] =	vst v3;
	v3 =	vsub.f32 $1.000000000e+00, v5  }
0xd3: {  	[tilespmem:s0+$0xF000] =	vst v4  }
0xd4: {  	[tilespmem:s0+$0x10000] =	vst v0;
	v0 =	vmul.f32 v2, v2;
	v1 =	vmul.f32 v3, v1  }
0xd5: {  	v3 =	vld [tilespmem:s2+$0x5000]  }
0xd6: {  	v0 =	vmul.f32 v0, v2;
	v1 =	vsub.f32 $0.0e+00, v1;
	_ =	sdelay $0x1  }
0xd7: {  	v0 =	vmul.f32 v1, v0;
	_ =	sdelay $0x1  }
0xd8: {  	v1 =	vmul.f32 v0, v3  }
0xd9: {  	v2 =	vmul.f32 v0, v25  }
0xda: {  	v0 =	vmul.f32 v0, v18;
	[tilespmem:s2+$0x11000] =	vst v1  }
0xdb: {  	[tilespmem:s2+$0xF000] =	vst v2  }
0xdc: {  	[tilespmem:s2+$0x10000] =	vst v0  }
0xdd: {  	[spmem:s8] =	stream.indirect.scatter.add.f32 [tilespmem:s24], [sflag:$0x4], $0x1, s23, s3, $0xb8;
	[tilespmem:$0x1CA20] =	vst v63  }
0xde: {  	_ = 	snop  }
0xdf: {  	[spmem:s8] =	stream.indirect.scatter.add.f32 [tilespmem:s16], [sflag:$0x4], $0x1, s9, s3, $0xb8;
	[tilespmem:$0x1CA20] =	vst v63  }
0xe0: {  	_ = 	snop  }
0xe1: {  	[spmem:s8] =	stream.indirect.scatter.add.f32 [tilespmem:s18], [sflag:$0x4], $0x1, s17, s3, $0xb8;
	[tilespmem:$0x1CA20] =	vst v63  }
0xe2: {  	_ =	swait.ge [sflag:s19], $0xFA0  }
0xe3: {  	[sflag:s19] =	ssyncset.done $0x0  }
0xe4: {  	[sflag:s19] =	ssyncadd.s32 $0xFFFFF060  }
0xe5: {  	_ =	swait.ge [sflag:s19], $0xFA0  }
0xe6: {  	[sflag:s19] =	ssyncset.done $0x0  }
0xe7: {  	[sflag:s19] =	ssyncadd.s32 $0xFFFFF060  }
0xe8: {  	_ =	swait.ge [sflag:s19], $0xFA0  }
0xe9: {  	[sflag:s19] =	ssyncset.done $0x0  }
0xea: {  	[sflag:s19] =	ssyncadd.s32 $0xFFFFF060  }
0xeb: {  	_ =	swait.ge [sflag:s26], $0xFA0  }
0xec: {  	[sflag:s26] =	ssyncset.done $0x0  }
0xed: {  	[sflag:s26] =	ssyncadd.s32 $0xFFFFF060  }
0xee: {  	_ =	swait.ge [sflag:s26], $0xFA0  }
0xef: {  	[sflag:s26] =	ssyncset.done $0x0  }
0xf0: {  	[sflag:s26] =	ssyncadd.s32 $0xFFFFF060  }
0xf1: {  	_ =	swait.ge [sflag:s26], $0xFA0  }
0xf2: {  	[sflag:s26] =	ssyncset.done $0x0  }
0xf3: {  	[sflag:s26] =	ssyncadd.s32 $0xFFFFF060  }
0xf4: {  	_ =	swait.ge [sflag:s26], $0xFA0  }
0xf5: {  	[sflag:s26] =	ssyncset.done $0x0  }
0xf6: {  	[sflag:s26] =	ssyncadd.s32 $0xFFFFF060  }
0xf7: {  	_ =	swait.ge [sflag:s26], $0xFA0  }
0xf8: {  	[sflag:s26] =	ssyncset.done $0x0  }
0xf9: {  	[sflag:s26] =	ssyncadd.s32 $0xFFFFF060  }
0xfa: {  	s6 =	sshll.u32 s28, $0x1;
	_ =	swait.ge [sflag:s26], $0xFA0  }
0xfb: {  	s0 =	smin.u32 s6, $0x2F;
	[sflag:s26] =	ssyncset.done $0x0  }
0xfc: {  	s0 =	smul.u32 $0xFA0, s0;
	s20 =	rddreg [dreg:$0x12];
	[sflag:s26] =	ssyncadd.s32 $0xFFFFF060  }
0xfd: {  	[tilespmem:s4], [sflag:$0x3] =	stream.indirect.gather [spmem:s21], $0x1, s15, s3, $0xb8;
	[tilespmem:$0x1CA20] =	vst v63  }
0xfe: {  	s0 =	sadd.s32 s0, s20  }
0xff: {  	[tilespmem:s5], [sflag:$0x3] =	stream.indirect.gather [spmem:s7], $0x1, s14, s3, $0xb8;
	[tilespmem:$0x1CA20] =	vst v63  }
0x100: {  	s0 =	sshrl.u32 s0, $0x3;
	s2 =	rddreg [dreg:$0x0]  }
0x101: {  	[tilespmem:s13], [sflag:$0x3] =	stream.indirect.gather [spmem:s7], $0x1, s15, s3, $0xb8;
	[tilespmem:$0x1CA20] =	vst v63  }
0x102: {  	s6 =	rddreg [dreg:$0x1];
	s1 =	sadd.s32 s2, s0;
	s2 =	simm.s32 $0x0  }
0x103: {  	[tilespmem:s2], [sflag:$0x1] =	stream.linear.gather [hbm4b:s1+s2], $0xFA0, $0x38;
	[tilespmem:$0x1CA20] =	vst v63  }
0x104: {  	s20 =	rddreg [dreg:$0x2];
	s1 =	sadd.s32 s6, s0  }
0x105: {  	[tilespmem:s25], [sflag:$0x1] =	stream.linear.gather [hbm4b:s1+s2], $0xFA0, $0x38;
	[tilespmem:$0x1CA20] =	vst v63  }
0x106: {  	s6 =	simm.s32 $0x2000;
	s1 =	sadd.s32 s20, s0  }
0x107: {  	[tilespmem:s6], [sflag:$0x1] =	stream.linear.gather [hbm4b:s1+s2], $0xFA0, $0x38;
	[tilespmem:$0x1CA20] =	vst v63  }
0x108: {  	s20 =	simm.s32 $0x3000;
	s6 =	sadd.s32 s10, s0  }
0x109: {  	[tilespmem:s20], [sflag:$0x1] =	stream.linear.gather [hbm4b:s6+s2], $0xFA0, $0x38;
	[tilespmem:$0x1CA20] =	vst v63  }
0x10a: {  	s6 =	sadd.s32 s11, s0;
	s20 =	simm.s32 $0x4000  }
0x10b: {  	[tilespmem:s20], [sflag:$0x1] =	stream.linear.gather [hbm4b:s6+s2], $0xFA0, $0x38;
	[tilespmem:$0x1CA20] =	vst v63  }
0x10c: {  	s0 =	sadd.s32 s12, s0;
	s20 =	simm.s32 $0x5000  }
0x10d: {  	[tilespmem:s20], [sflag:$0x1] =	stream.linear.gather [hbm4b:s0+s2], $0xFA0, $0x38;
	[tilespmem:$0x1CA20] =	vst v63  }
0x10e: {  	_ =	swait.ge [sflag:s22], $0xFA0  }
0x10f: {  	[sflag:s22] =	ssyncset.done $0x0  }
0x110: {  	[sflag:s22] =	ssyncadd.s32 $0xFFFFF060  }
0x111: {  	_ =	swait.ge [sflag:s22], $0xFA0  }
0x112: {  	[sflag:s22] =	ssyncset.done $0x0  }
0x113: {  	[sflag:s22] =	ssyncadd.s32 $0xFFFFF060  }
0x114: {  	_ =	swait.ge [sflag:s22], $0xFA0  }
0x115: {  	[sflag:s22] =	ssyncset.done $0x0  }
0x116: {  	s1 =	simm.s32 $0x0;
	[sflag:s22] =	ssyncadd.s32 $0xFFFFF060  }
0x117: {  	v0 =	vld [tilespmem:s1+$0x8000];
	_ =	sdelay $0x3  }
0x118: {  	v1 =	vld [tilespmem:s1+$0x6000]  }
0x119: {  	v2 =	vshra.s32 v0, $0x1;
	v5 =	vmul.f32 $5.000000000e-01, v0  }
0x11a: {  	v2 =	vsub.s32 $0x5F3759DF, v2  }
0x11b: {  	v3 =	vmul.f32 v2, v5;
	_ =	sdelay $0x1  }
0x11c: {  	v1 =	vmul.u32 $0x3, v1;
	v3 =	vmul.f32 v2, v3;
	_ =	sdelay $0x1  }
0x11d: {  	[tilespmem:s1+$0x12000] =	vst v1;
	v7 =	vadd.s32 $0x1, v1;
	v3 =	vsub.f32 $1.500000000e+00, v3  }
0x11e: {  	s30 =	simm.s32 $0x10;
	[tilespmem:s1+$0x13000] =	vst v7  }
0x11f: {  	v7 =	vld [tilespmem:s30+$0x8000];
	v2 =	vmul.f32 v2, v3;
	_ =	sdelay $0x1  }
0x120: {  	v3 =	vmul.f32 v2, v5;
	_ =	sdelay $0x1  }
0x121: {  	v8 =	vld [tilespmem:s30+$0x6000];
	v3 =	vmul.f32 v3, v2  }
0x122: {  	v9 =	vshra.s32 v7, $0x1;
	v10 =	vmul.f32 $5.000000000e-01, v7  }
0x123: {  	v1 =	vadd.s32 $0x2, v1;
	v9 =	vsub.s32 $0x5F3759DF, v9;
	v11 =	vsub.f32 $1.500000000e+00, v3  }
0x124: {  	[tilespmem:s1+$0x14000] =	vst v1;
	v1 =	vmul.f32 v9, v10  }
0x125: {  	v11 =	vmul.f32 v11, v2  }
0x126: {  	v8 =	vmul.u32 $0x3, v8;
	v1 =	vmul.f32 v9, v1  }
0x127: {  	v6 =	vld [tilespmem:s1+$0x9000];
	v5 =	vmul.f32 v11, v5  }
0x128: {  	v4 =	vld [tilespmem:s1+$0xA000];
	[tilespmem:s30+$0x12000] =	vst v8;
	v12 =	vadd.s32 $0x1, v8;
	v1 =	vsub.f32 $1.500000000e+00, v1  }
0x129: {  	s29 =	simm.s32 $0x20;
	[tilespmem:s30+$0x13000] =	vst v12;
	v5 =	vmul.f32 v5, v11  }
0x12a: {  	v8 =	vadd.s32 $0x2, v8;
	v13 =	vld [tilespmem:s29+$0x8000];
	v9 =	vmul.f32 v9, v1  }
0x12b: {  	v12 =	vld [tilespmem:s29+$0x6000];
	[tilespmem:s30+$0x14000] =	vst v8;
	v1 =	vsub.f32 $1.500000000e+00, v5  }
0x12c: {  	v8 =	vld [tilespmem:s1+$0xD000];
	v5 =	vmul.f32 v9, v10  }
0x12d: {  	v0 =	vmul.f32 v0, v0;
	v17 =	vmul.f32 v1, v11  }
0x12e: {  	v1 =	vmul.f32 v5, v9;
	v5 =	vld [tilespmem:s1+$0xE000]  }
0x12f: {  	v18 =	vmul.f32 $5.000000000e-01, v13;
	v11 =	vshra.s32 v13, $0x1;
	v0 =	vmul.f32 v17, v0  }
0x130: {  	v11 =	vsub.s32 $0x5F3759DF, v11;
	v14 =	vsub.f32 $1.500000000e+00, v1  }
0x131: {  	v15 =	vmul.f32 v11, v18;
	v8 =	vmul.f32 v0, v8  }
0x132: {  	v9 =	vmul.f32 v14, v9  }
0x133: {  	v12 =	vmul.u32 $0x3, v12;
	v14 =	vmul.f32 v11, v15;
	v5 =	vmul.f32 v8, v5  }
0x134: {  	v3 =	vld [tilespmem:s30+$0x9000];
	v10 =	vmul.f32 v9, v10  }
0x135: {  	v2 =	vld [tilespmem:s30+$0xA000];
	[tilespmem:s29+$0x12000] =	vst v12;
	v8 =	vadd.s32 $0x1, v12;
	v14 =	vsub.f32 $1.500000000e+00, v14;
	v5 =	vmul.f32 $-6.999999880e-01, v5  }
0x136: {  	s0 =	simm.s32 $0x30;
	[tilespmem:s29+$0x13000] =	vst v8;
	v10 =	vmul.f32 v10, v9  }
0x137: {  	v12 =	vadd.s32 $0x2, v12;
	v8 =	vld [tilespmem:s0+$0x8000];
	v16 =	vmul.f32 v11, v14;
	v5 =	vmul.f32 $1.442695020e+00, v5  }
0x138: {  	v15 =	vld [tilespmem:s0+$0x6000];
	[tilespmem:s29+$0x14000] =	vst v12;
	v10 =	vsub.f32 $1.500000000e+00, v10  }
0x139: {  	v12 =	vld [tilespmem:s30+$0xD000];
	v11 =	vmul.f32 v16, v18;
	(erf) = vpow2.f32 v5  }
0x13a: {  	v5 =	vmul.f32 v7, v7;
	v9 =	vmul.f32 v10, v9  }
0x13b: {  	v10 =	vld [tilespmem:s30+$0xE000]  }
0x13c: {  	v7 =	vmul.f32 v11, v16;
	v19 =	vmul.f32 v9, v5  }
0x13d: {  	v14 =	vshra.s32 v8, $0x1;
	v11 =	vmul.f32 $5.000000000e-01, v8;
	v15 =	vmul.u32 $0x3, v15  }
0x13e: {  	v1 =	vld [tilespmem:s29+$0x9000];
	v14 =	vsub.s32 $0x5F3759DF, v14;
	v20 =	vsub.f32 $1.500000000e+00, v7;
	v19 =	vmul.f32 v19, v12  }
0x13f: {  	v0 =	vld [tilespmem:s29+$0xA000];
	v21 =	vmul.f32 v14, v11  }
0x140: {  	v7 =	vld [tilespmem:s0+$0xA000];
	[tilespmem:s0+$0x12000] =	vst v15;
	v12 =	vmul.f32 v20, v16;
	v10 =	vmul.f32 v19, v10;
	v19 =	vadd.s32 $0x1, v15  }
0x141: {  	v16 =	vadd.s32 $0x2, v15;
	v20 =	vmul.f32 v14, v21;
	v15 =	vld [tilespmem:s1+$0xC000]  }
0x142: {  	v21 =	vmul.f32 v12, v18  }
0x143: {  	s2 =	simm.s32 $0x40;
	v13 =	vmul.f32 v13, v13;
	v5 =	vld [tilespmem:s0+$0x9000];
	v18 =	vsub.f32 $1.500000000e+00, v20;
	[tilespmem:s0+$0x13000] =	vst v19;
	v20 =	vmul.f32 $-6.999999880e-01, v10;
	v19 =	vpop (erf)  }
0x144: {  	s6 =	simm.s32 $0x140;
	v17 =	vmul.f32 v17, v17;
	v10 =	vld [tilespmem:s2+$0x8000];
	v21 =	vmul.f32 v21, v12;
	v19 =	vsub.f32 $1.000000000e+00, v19  }
.LBB2_5:
0x145: {  	p1 =	sne.s32 s6, $0x3E40;
	v22 =	vld [tilespmem:s2+$0x6000];
	v18 =	vmul.f32 v14, v18;
	[tilespmem:s0+$0x14000] =	vst v16;
	v14 =	vmul.f32 $1.442695020e+00, v20;
	v20 =	vmovc v11;
	v23 =	vmovc v4;
	v4 =	vmov v2;
	s20 =	smov.u32 s29;
	s29 =	smov.u32 s0  }
0x146: {  	v2 =	vmovc v0;
	v0 =	vmovc v7;
	s0 =	smov.u32 s2;
	v11 =	vsub.f32 $1.500000000e+00, v21;
	v16 =	vmul.f32 v17, v17;
	v15 =	vmul.f32 v19, v15;
	v19 =	vld [tilespmem:s1+$0xB000]  }
0x147: {  	v24 =	vmov v8;
	v7 =	vmul.f32 v18, v20;
	v21 =	vld [tilespmem:s20+$0xD000];
	(erf) = vpow2.f32 v14  }
0x148: {  	v25 =	vld [tilespmem:s0+$0x9000];
	v26 =	vmul.f32 v11, v12;
	v12 =	vmul.f32 v16, v17;
	v15 =	vsub.f32 $0.0e+00, v15  }
0x149: {  	v14 =	vshra.s32 v10, $0x1;
	v11 =	vmul.f32 $5.000000000e-01, v10;
	v16 =	vmul.f32 v7, v18;
	v17 =	vld [tilespmem:s20+$0xE000];
	v8 =	vmovc v10  }
0x14a: {  	v14 =	vsub.s32 $0x5F3759DF, v14;
	v7 =	vld [tilespmem:s0+$0xA000];
	v10 =	vmul.f32 v26, v13;
	v13 =	vmul.f32 v15, v12  }
0x14b: {  	v22 =	vmul.u32 $0x3, v22;
	v15 =	vmul.f32 v14, v11;
	v12 =	vsub.f32 $1.500000000e+00, v16  }
0x14c: {  	v10 =	vmul.f32 v10, v21;
	v19 =	vmul.f32 v13, v19  }
.Ltmp1:
0x14d: {  	v21 =	vadd.s32 $0x1, v22;
	[tilespmem:s0+$0x12000] =	vst v22;
	v12 =	vmul.f32 v12, v18;
	v18 =	vmul.f32 v13, v6;
	v6 =	vmovc v3;
	(pc) =	sbr.rel @p1 .LBB2_5-.Ltmp1, $4  }
0x14e: {  	v16 =	vadd.s32 $0x2, v22;
	v27 =	vmul.f32 v14, v15;
	v3 =	vmovc v1;
	v10 =	vmul.f32 v10, v17;
	v15 =	vld [tilespmem:s30+$0xC000];
	[tilespmem:s1+$0x11000] =	vst v19  }
0x14f: {  	v22 =	vmul.f32 v13, v23;
	v1 =	vmovc v5;
	v5 =	vmov v25;
	v17 =	vmul.f32 v12, v20;
	[tilespmem:s1+$0xF000] =	vst v18  }
0x150: {  	s2 =	sshra.s32 s6, $0x2;
	v13 =	vmul.f32 v24, v24;
	v18 =	vsub.f32 $1.500000000e+00, v27;
	[tilespmem:s0+$0x13000] =	vst v21;
	v20 =	vmul.f32 $-6.999999880e-01, v10;
	v19 =	vpop (erf)  }
0x151: {  	s6 =	sadd.s32 $0x40, s6;
	v10 =	vld [tilespmem:s2+$0x8000];
	v21 =	vmul.f32 v17, v12;
	v19 =	vsub.f32 $1.000000000e+00, v19;
	v17 =	vmul.f32 v9, v9;
	[tilespmem:s1+$0x10000] =	vst v22;
	v9 =	vmovc v26;
	s1 =	smov.u32 s30;
	s30 =	smov.u32 s20  }
0x152: {  	v14 =	vmul.f32 v14, v18  }
0x153: {  	v20 =	vmul.f32 $1.442695020e+00, v20;
	v21 =	vsub.f32 $1.500000000e+00, v21;
	v22 =	vmul.f32 v17, v17  }
0x154: {  	v15 =	vmul.f32 v19, v15;
	v56 =	vmul.f32 v14, v11  }
0x155: {  	v55 =	vld [tilespmem:s2+$0x6000];
	[tilespmem:s0+$0x14000] =	vst v16;
	(erf) = vpow2.f32 v20;
	v12 =	vmul.f32 v21, v12  }
0x156: {  	v58 =	vld [tilespmem:s1+$0xB000];
	v17 =	vmul.f32 v22, v17;
	v59 =	vshra.s32 v10, $0x1;
	v60 =	vmul.f32 $5.000000000e-01, v10  }
0x157: {  	v15 =	vsub.f32 $0.0e+00, v15;
	v16 =	vmul.f32 v56, v14;
	v21 =	vsub.s32 $0x5F3759DF, v59  }
0x158: {  	v57 =	vld [tilespmem:s29+$0xD000];
	v24 =	vmul.f32 v21, v60  }
0x159: {  	v9 =	vmul.f32 v9, v9;
	v15 =	vmul.f32 v15, v17;
	v16 =	vsub.f32 $1.500000000e+00, v16  }
0x15a: {  	v23 =	vld [tilespmem:s29+$0xE000];
	v13 =	vmul.f32 v12, v13;
	v61 =	vmul.u32 $0x3, v55;
	v62 =	vmul.f32 v21, v24  }
0x15b: {  	v25 =	vld [tilespmem:s2+$0x9000];
	v20 =	vmul.f32 v15, v58;
	v14 =	vmul.f32 v16, v14  }
0x15c: {  	v8 =	vmul.f32 v8, v8;
	v18 =	vld [tilespmem:s2+$0xA000];
	[tilespmem:s2+$0x12000] =	vst v61;
	v6 =	vmul.f32 v15, v6;
	v19 =	vsub.f32 $1.500000000e+00, v62  }
0x15d: {  	v13 =	vmul.f32 v13, v57;
	v63 =	vld [tilespmem:s30+$0xC000];
	[tilespmem:s1+$0x11000] =	vst v20;
	v24 =	vmul.f32 v14, v11  }
0x15e: {  	v26 =	vadd.s32 $0x1, v61;
	v4 =	vmul.f32 v15, v4;
	[tilespmem:s1+$0xF000] =	vst v6;
	v27 =	vmul.f32 v21, v19  }
0x15f: {  	v13 =	vmul.f32 v13, v23;
	[tilespmem:s2+$0x13000] =	vst v26;
	v29 =	vpop (erf);
	v11 =	vmul.f32 v24, v14  }
0x160: {  	v28 =	vadd.s32 $0x2, v61;
	[tilespmem:s1+$0x10000] =	vst v4;
	v17 =	vsub.f32 $1.000000000e+00, v29;
	v30 =	vmul.f32 v27, v60  }
0x161: {  	v31 =	vmul.f32 v9, v9;
	v13 =	vmul.f32 $-6.999999880e-01, v13;
	[tilespmem:s2+$0x14000] =	vst v28;
	v11 =	vsub.f32 $1.500000000e+00, v11  }
0x162: {  	v32 =	vld [tilespmem:s0+$0xD000];
	v16 =	vmul.f32 v17, v63;
	v4 =	vmul.f32 v30, v27  }
0x163: {  	v13 =	vmul.f32 $1.442695020e+00, v13;
	v33 =	vld [tilespmem:s30+$0xB000];
	v11 =	vmul.f32 v11, v14  }
0x164: {  	v9 =	vmul.f32 v31, v9;
	v34 =	vsub.f32 $0.0e+00, v16;
	v4 =	vsub.f32 $1.500000000e+00, v4  }
0x165: {  	v35 =	vld [tilespmem:s0+$0xE000];
	(erf) = vpow2.f32 v13;
	v8 =	vmul.f32 v11, v8  }
0x166: {  	v9 =	vmul.f32 v34, v9;
	v4 =	vmul.f32 v4, v27  }
0x167: {  	v36 =	vmul.f32 v8, v32  }
0x168: {  	v37 =	vmul.f32 v9, v33;
	v38 =	vmul.f32 v4, v60  }
0x169: {  	v3 =	vmul.f32 v9, v3;
	v2 =	vmul.f32 v9, v2  }
0x16a: {  	v39 =	vld [tilespmem:s29+$0xC000];
	v6 =	vmul.f32 v36, v35;
	[tilespmem:s30+$0x11000] =	vst v37;
	v40 =	vmul.f32 v38, v4  }
0x16b: {  	[tilespmem:s30+$0xF000] =	vst v3  }
0x16c: {  	[tilespmem:s30+$0x10000] =	vst v2;
	v41 =	vmul.f32 $-6.999999880e-01, v6;
	v42 =	vsub.f32 $1.500000000e+00, v40  }
0x16d: {  	v43 =	vmul.f32 v10, v10;
	v44 =	vld [tilespmem:s2+$0xD000]  }
0x16e: {  	v3 =	vmul.f32 $1.442695020e+00, v41;
	v2 =	vmul.f32 v42, v4  }
0x16f: {  	v46 =	vmul.f32 v12, v12;
	v47 =	vld [tilespmem:s2+$0xE000];
	v45 =	vpop (erf)  }
0x170: {  	v4 =	vsub.f32 $1.000000000e+00, v45;
	(erf) = vpow2.f32 v3;
	v48 =	vmul.f32 v2, v43  }
0x171: {  	v49 =	vmul.f32 v46, v46  }
0x172: {  	v4 =	vmul.f32 v4, v39;
	v3 =	vmul.f32 v48, v44  }
0x173: {  	v50 =	vld [tilespmem:s29+$0xB000]  }
0x174: {  	v6 =	vmul.f32 v49, v46;
	v4 =	vsub.f32 $0.0e+00, v4;
	v3 =	vmul.f32 v3, v47;
	_ =	sdelay $0x1  }
0x175: {  	v4 =	vmul.f32 v4, v6;
	v3 =	vmul.f32 $-6.999999880e-01, v3  }
0x176: {  	v51 =	vld [tilespmem:s0+$0xC000]  }
0x177: {  	v8 =	vmul.f32 v4, v50;
	v3 =	vmul.f32 $1.442695020e+00, v3  }
0x178: {  	v53 =	vmul.f32 v11, v11;
	v1 =	vmul.f32 v4, v1;
	v52 =	vpop (erf)  }
0x179: {  	v0 =	vmul.f32 v4, v0;
	[tilespmem:s29+$0x11000] =	vst v8;
	v4 =	vsub.f32 $1.000000000e+00, v52;
	(erf) = vpow2.f32 v3  }
0x17a: {  	[tilespmem:s29+$0xF000] =	vst v1  }
0x17b: {  	v54 =	vmul.f32 v53, v53;
	[tilespmem:s29+$0x10000] =	vst v0;
	v55 =	vmul.f32 v4, v51  }
0x17c: {  	v56 =	vld [tilespmem:s0+$0xB000]  }
0x17d: {  	v0 =	vmul.f32 v54, v53;
	v1 =	vsub.f32 $0.0e+00, v55;
	_ =	sdelay $0x1  }
0x17e: {  	v0 =	vmul.f32 v1, v0  }
0x17f: {  	v57 =	vld [tilespmem:s2+$0xC000]  }
0x180: {  	v3 =	vmul.f32 v0, v56  }
0x181: {  	v58 =	vmul.f32 v0, v5;
	v59 =	vpop (erf)  }
0x182: {  	v2 =	vmul.f32 v2, v2;
	v0 =	vmul.f32 v0, v7;
	[tilespmem:s0+$0x11000] =	vst v3;
	v60 =	vsub.f32 $1.000000000e+00, v59  }
0x183: {  	[tilespmem:s0+$0xF000] =	vst v58  }
0x184: {  	v61 =	vmul.f32 v2, v2;
	[tilespmem:s0+$0x10000] =	vst v0;
	v1 =	vmul.f32 v60, v57  }
0x185: {  	v62 =	vld [tilespmem:s2+$0xB000]  }
0x186: {  	v0 =	vmul.f32 v61, v2;
	v1 =	vsub.f32 $0.0e+00, v1;
	_ =	sdelay $0x1  }
0x187: {  	v0 =	vmul.f32 v1, v0;
	_ =	sdelay $0x1  }
0x188: {  	v1 =	vmul.f32 v0, v62  }
0x189: {  	v63 =	vmul.f32 v0, v25  }
0x18a: {  	v0 =	vmul.f32 v0, v18;
	[tilespmem:s2+$0x11000] =	vst v1  }
0x18b: {  	[tilespmem:s2+$0xF000] =	vst v63  }
0x18c: {  	[tilespmem:s2+$0x10000] =	vst v0  }
0x18d: {  	[spmem:s8] =	stream.indirect.scatter.add.f32 [tilespmem:s24], [sflag:$0x4], $0x1, s23, s3, $0xb8;
	[tilespmem:$0x1CA20] =	vst v63  }
0x18e: {  	_ = 	snop  }
0x18f: {  	[spmem:s8] =	stream.indirect.scatter.add.f32 [tilespmem:s16], [sflag:$0x4], $0x1, s9, s3, $0xb8;
	[tilespmem:$0x1CA20] =	vst v63  }
0x190: {  	_ = 	snop  }
0x191: {  	[spmem:s8] =	stream.indirect.scatter.add.f32 [tilespmem:s18], [sflag:$0x4], $0x1, s17, s3, $0xb8;
	[tilespmem:$0x1CA20] =	vst v63  }
0x192: {  	_ =	swait.ge [sflag:s19], $0xFA0  }
0x193: {  	[sflag:s19] =	ssyncset.done $0x0  }
0x194: {  	s28 =	sadd.s32 $0x1, s28;
	[sflag:s19] =	ssyncadd.s32 $0xFFFFF060  }
0x195: {  	p1 =	sne.s32 s28, $0x19;
	_ =	swait.ge [sflag:s19], $0xFA0  }
.Ltmp2:
0x196: {  	[sflag:s19] =	ssyncset.done $0x0;
	(pc) =	sbr.rel @p1 .LBB2_2-.Ltmp2, $4  }
0x197: {  	[sflag:s19] =	ssyncadd.s32 $0xFFFFF060  }
0x198: {  	_ =	swait.ge [sflag:s19], $0xFA0  }
0x199: {  	[sflag:s19] =	ssyncset.done $0x0  }
0x19a: {  	[sflag:s19] =	ssyncadd.s32 $0xFFFFF060  }
0x19b: {  	_ =	swait.ge [sflag:s31], $0xFA0  }
0x19c: {  	[sflag:s31] =	ssyncset.done $0x0  }
0x19d: {  	[sflag:s31] =	ssyncadd.s32 $0xFFFFF060  }
0x19e: {  	_ =	swait.ge [sflag:s31], $0xFA0  }
0x19f: {  	[sflag:s31] =	ssyncset.done $0x0  }
0x1a0: {  	[sflag:s31] =	ssyncadd.s32 $0xFFFFF060  }
0x1a1: {  	_ =	swait.ge [sflag:s31], $0xFA0  }
0x1a2: {  	[sflag:s31] =	ssyncset.done $0x0  }
0x1a3: {  	[sflag:s31] =	ssyncadd.s32 $0xFFFFF060  }
0x1a4: {  	_ =	swait.ge [sflag:s31], $0xFA0  }
0x1a5: {  	[sflag:s31] =	ssyncset.done $0x0  }
0x1a6: {  	[sflag:s31] =	ssyncadd.s32 $0xFFFFF060  }
0x1a7: {  	_ =	swait.ge [sflag:s31], $0xFA0  }
0x1a8: {  	[sflag:s31] =	ssyncset.done $0x0  }
0x1a9: {  	[sflag:s31] =	ssyncadd.s32 $0xFFFFF060  }
0x1aa: {  	_ =	swait.ge [sflag:s31], $0xFA0  }
0x1ab: {  	[sflag:s31] =	ssyncset.done $0x0  }
0x1ac: {  	[sflag:s31] =	ssyncadd.s32 $0xFFFFF060  }
0x1ad: {  	[bflag:$0x0] =	sbarrier.arrive $0xFFFF  }
0x1ae: {  	s0 =	simm.s32 @!p0 $0x1;
	s1 =	simm.s32 @!p0 $0x20;
	s20 =	rddreg [dreg:$0x13]  }
0x1af: {  	s2 =	simm.s32 @!p0 $0x10;
	s6 =	simm.s32 @!p0 $0x1C05;
	s28 =	rddreg [dreg:$0x17]  }
0x1b0: {  	[hbm:s20@s1], [sflag:s6] =	dma.strided @!p0 [spmem:s28@s2], $0x9280, s0, $0x10   }
0x1b1: {  	s0 =	simm.s32 @!p0 $0x5  }
0x1b2: {  	_ =	swait.ge @!p0 [sflag:s0], $0x9280  }
0x1b3: {  	s29 =	rddreg [dreg:$0x16]  }
0x1b4: {  	s30 =	rddreg [dreg:$0x14];
	s2 =	sadd.s32 $0x1, s29  }
0x1b5: {  	p1 =	sne.s32 s2, s30  }
.Ltmp3:
0x1b6: {  	_ = 	snop;
	(pc) =	sbr.rel @p1 .LBB2_1-.Ltmp3, $3  }
0x1b7: {  	_ =	sdelay $0x1  }
0x1b8: {  	[sflag:s0] =	ssyncset.done @!p0 $0x0  }
0x1b9: {  	[sflag:s0] =	ssyncadd.s32 @!p0 $0xFFFF6D80  }
0x1ba: {  	_ =	sfence.sel $0x180000  }
0x1bb: {  	[bflag:$0x0] =	sbarrier.arrive $0xFFFF  }
0x1bc: {  	_ =	strace $0x90000047  }
0x1bd: {  	[bflag:$0x2] =	sbarrier.arrive $0xFFFF  }
0x1be: {  	s0 =	rddreg [dreg:$0x9]  }
0x1bf: {  	s0 =	sadd.s32 @!p0 $0x100000, s0  }
0x1c0: {  	[sflag:s0] =	ssyncadd.tile.s32 @!p0 $0x1;
	_ =	shalt  }
.Lfunc_end2:
_tile_overlayer_lowered:
.L_overlay_start_2:
0x1c1: {  	(tag) =	ssettag $0x2  }
0x1c2: {  	s0 =	rddreg [dreg:$0x0];
	s2 =	stileid.u32  }
0x1c3: {  	s1 =	rddreg [dreg:$0x1];
	p0 =	sne.s32 s2, $0x0  }
0x1c4: {  	s3 =	rddreg [dreg:$0x2];
	[bflag:$0x3] =	sbarrier.arrive $0xFFFF;
	s2 =	simm.s32 @!p0 $0x1C05  }
0x1c5: {  	[timem:s3], [sflag:s2] =	dma.local @!p0 [hbm:s0], s1  }
0x1c6: {  	s0 =	simm.s32 @!p0 $0x5  }
0x1c7: {  	_ =	swait.ge @!p0 [sflag:s0], s1  }
0x1c8: {  	s1 =	ssub.s32 @!p0 $0x0, s1;
	[sflag:s0] =	ssyncset.done @!p0 $0x0  }
0x1c9: {  	[sflag:s0] =	ssyncadd.s32 @!p0 s1  }
0x1ca: {  	[bflag:$0x3] =	sbarrier.arrive $0xFFFF  }
0x1cb: {  	_ =	shalt  }

</sc_bundles>
